<compile_context>
chip_gen: v7x
topology: tpu7x:2x2x1
jax: 0.10.2.dev20260603
libtpu: 0.0.44.dev20260713+nightly
codegen_flags: <defaults>
</compile_context>

<pallas_src>
import jax
import jax.numpy as jnp
from jax import lax
from jax.experimental import pallas as pl
from jax.experimental.pallas import tpu as pltpu
from jax.experimental.pallas import tpu_sc as plsc

N = 10000
E = 320000
D_IN = 128
D_HID = 64
D_OUT = 128

NC = 2
NS = 16
NW = NC * NS
EPW = E // NW
CH = 125
NCHUNK = EPW // CH
NP = 10240
RPT = NP // NS
DW = 16



def _make_agg(with_deg):
    mesh = plsc.VectorSubcoreMesh(core_axis_name="c", subcore_axis_name="s")
    outs = [jax.ShapeDtypeStruct((NC, NP, D_HID), jnp.float32)]
    scratch = [
        pltpu.VMEM((NCHUNK, CH), jnp.int32),
        pltpu.VMEM((NCHUNK, CH), jnp.int32),
        pltpu.VMEM((CH, D_HID), jnp.float32),
        pltpu.VMEM((CH, D_HID), jnp.float32),
        pltpu.VMEM((CH, D_HID), jnp.float32),
        pltpu.VMEM((CH, D_HID), jnp.float32),
        pltpu.VMEM_SHARED((NP, D_HID), jnp.float32),
        pltpu.SemaphoreType.DMA,
        pltpu.SemaphoreType.DMA,
        pltpu.SemaphoreType.DMA,
        pltpu.SemaphoreType.DMA,
    ]
    if with_deg:
        outs.append(jax.ShapeDtypeStruct((NC, NP, DW), jnp.float32))
        scratch += [
            pltpu.VMEM((CH, DW), jnp.float32),
            pltpu.VMEM_SHARED((NP, DW), jnp.float32),
            pltpu.SemaphoreType.DMA,
        ]

    def body(*refs):
        if with_deg:
            (table, edges, zer_d, zer_w, one_w,
             out_acc, out_deg,
             src_v, dst_v, b0, b1_, b2_, b3, acc, s0, s1, s2, s3,
             ones_v, dacc, dsem) = refs
        else:
            (table, edges, zer_d,
             out_acc,
             src_v, dst_v, b0, b1_, b2_, b3, acc, s0, s1, s2, s3) = refs
        bufs = (b0, b1_, b2_, b3)
        sems = (s0, s1, s2, s3)
        c = lax.axis_index("c")
        s = lax.axis_index("s")
        wid = s * NC + c

        pltpu.sync_copy(edges.at[0, wid], src_v)
        pltpu.sync_copy(edges.at[1, wid], dst_v)
        pltpu.sync_copy(zer_d, acc.at[pl.ds(s * RPT, RPT)])
        if with_deg:
            pltpu.sync_copy(one_w, ones_v)
            pltpu.sync_copy(zer_w, dacc.at[pl.ds(s * RPT, RPT)])
        plsc.subcore_barrier()

        for k in range(4):
            pltpu.async_copy(table.at[src_v.at[k]], bufs[k], sems[k])

        def group(i, carry):
            j = 4 * i
            for k in range(4):
                pltpu.make_async_copy(table.at[src_v.at[j + k]], bufs[k],
                                      sems[k]).wait()
                pltpu.sync_copy(bufs[k], acc.at[dst_v.at[j + k]], add=True)
                if with_deg:
                    pltpu.async_copy(ones_v, dacc.at[dst_v.at[j + k]], dsem,
                                     add=True)

                @pl.when(j + k + 4 < NCHUNK)
                def _():
                    pltpu.async_copy(table.at[src_v.at[j + k + 4]], bufs[k],
                                     sems[k])

            return carry

        lax.fori_loop(0, NCHUNK // 4, group, 0)
        if with_deg:
            def drain(i, carry):
                pltpu.make_async_copy(ones_v, dacc.at[dst_v.at[0]],
                                      dsem).wait()
                return carry
            lax.fori_loop(0, NCHUNK, drain, 0)
        plsc.subcore_barrier()

        pltpu.sync_copy(acc.at[pl.ds(s * RPT, RPT)],
                        out_acc.at[c, pl.ds(s * RPT, RPT)])
        if with_deg:
            pltpu.sync_copy(dacc.at[pl.ds(s * RPT, RPT)],
                            out_deg.at[c, pl.ds(s * RPT, RPT)])

    return pl.kernel(body, out_type=tuple(outs), mesh=mesh,
                     scratch_types=scratch,
                     compiler_params=pltpu.CompilerParams(
                         use_tc_tiling_on_sc=False))


_agg_deg = _make_agg(with_deg=True)
_agg = _make_agg(with_deg=False)




_BN = 2000


def _proj_body(x_ref, w_ref, y_ref, r_ref):
    z = jnp.dot(x_ref[...], w_ref[...], preferred_element_type=jnp.float32)
    y_ref[...] = z[:, :D_HID]
    r_ref[...] = z[:, D_HID:]


def _tc_project(x, w):
    return pl.pallas_call(
        _proj_body,
        grid=(N // _BN,),
        in_specs=[pl.BlockSpec((_BN, D_IN), lambda i: (i, 0)),
                  pl.BlockSpec((D_IN, D_IN), lambda i: (0, 0))],
        out_specs=[pl.BlockSpec((_BN, D_HID), lambda i: (i, 0)),
                   pl.BlockSpec((_BN, D_HID), lambda i: (i, 0))],
        out_shape=[jax.ShapeDtypeStruct((N, D_HID), jnp.float32),
                   jax.ShapeDtypeStruct((N, D_HID), jnp.float32)],
    )(x, w)


def _post1_body(a_ref, d_ref, r_ref, b_ref, o_ref):
    a = a_ref[0] + a_ref[1]
    deg = jnp.maximum(d_ref[0, :, 0] + d_ref[1, :, 0], 1.0)
    o_ref[...] = jnp.maximum(a / deg[:, None] + r_ref[...] + b_ref[...], 0.0)


def _tc_post1(agg, degp, r1, b1):
    return pl.pallas_call(
        _post1_body,
        grid=(N // _BN,),
        in_specs=[pl.BlockSpec((NC, _BN, D_HID), lambda i: (0, i, 0)),
                  pl.BlockSpec((NC, _BN, DW), lambda i: (0, i, 0)),
                  pl.BlockSpec((_BN, D_HID), lambda i: (i, 0)),
                  pl.BlockSpec((1, D_HID), lambda i: (0, 0))],
        out_specs=pl.BlockSpec((_BN, D_HID), lambda i: (i, 0)),
        out_shape=jax.ShapeDtypeStruct((N, D_HID), jnp.float32),
    )(agg, degp, r1, b1)


def _post2_body(a_ref, d_ref, h_ref, w_ref, b_ref, o_ref):
    a = a_ref[0] + a_ref[1]
    deg = jnp.maximum(d_ref[0, :, 0] + d_ref[1, :, 0], 1.0)
    mean = a / deg[:, None]
    cat = jnp.concatenate([mean, h_ref[...]], axis=1)
    o = jnp.dot(cat, w_ref[...], preferred_element_type=jnp.float32)
    o = o + b_ref[...]
    m = jnp.max(o, axis=1, keepdims=True)
    ls = jnp.log(jnp.sum(jnp.exp(o - m), axis=1, keepdims=True))
    o_ref[...] = o - m - ls


def _tc_post2(agg, degp, h, w, b2):
    return pl.pallas_call(
        _post2_body,
        grid=(N // _BN,),
        in_specs=[pl.BlockSpec((NC, _BN, D_HID), lambda i: (0, i, 0)),
                  pl.BlockSpec((NC, _BN, DW), lambda i: (0, i, 0)),
                  pl.BlockSpec((_BN, D_HID), lambda i: (i, 0)),
                  pl.BlockSpec((D_IN, D_OUT), lambda i: (0, 0)),
                  pl.BlockSpec((1, D_OUT), lambda i: (0, 0))],
        out_specs=pl.BlockSpec((_BN, D_OUT), lambda i: (i, 0)),
        out_shape=jax.ShapeDtypeStruct((N, D_OUT), jnp.float32),
    )(agg, degp, h, w, b2)



def kernel(x, edge_index, W1_l, b1, W1_r, W2_l, b2, W2_r):
    edges = edge_index.reshape(2, NW, NCHUNK, CH)

    zer_d = jnp.zeros((RPT, D_HID), jnp.float32)
    zer_w = jnp.zeros((RPT, DW), jnp.float32)
    one_w = jnp.ones((CH, DW), jnp.float32)

    y1, r1 = _tc_project(x, jnp.concatenate([W1_l, W1_r], axis=1))

    agg1, degp = _agg_deg(y1, edges, zer_d, zer_w, one_w)
    h = _tc_post1(agg1, degp, r1, b1.reshape(1, D_HID))

    agg2, = _agg(h, edges, zer_d)
    return _tc_post2(agg2, degp, h,
                     jnp.concatenate([W2_l, W2_r], axis=0),
                     b2.reshape(1, D_OUT))

# --- scband reference (transcript-rebuilt; emitter-appended) ---
"""Pipeline reference for scband-graph-sage-71751723647376 (READ-ONLY COPY).

The authoritative reference and input builder live on the scoring server;
editing this copy changes nothing except your own understanding.
"""

import jax, jax.numpy as jnp
import numpy as np

N = 10000
E = 320000
D_IN = 128
D_HID = 64
D_OUT = 128


def setup_inputs(seed: int = 0) -> dict:
    key = jax.random.key(seed)
    ks = jax.random.split(key, 8)
    x = jax.random.normal(ks[0], (N, D_IN), dtype=jnp.float32)
    edge_index = jax.random.randint(ks[1], (2, E), 0, N, dtype=jnp.int32)
    # SAGEConv params (PyG convention: lin_l applied to aggregated neighbors, with bias;
    # lin_r applied to root features, no bias)
    W1_l = jax.random.normal(ks[2], (D_IN, D_HID), dtype=jnp.float32) * (1.0 / np.sqrt(D_IN))
    b1 = jnp.zeros((D_HID,), dtype=jnp.float32)
    W1_r = jax.random.normal(ks[3], (D_IN, D_HID), dtype=jnp.float32) * (1.0 / np.sqrt(D_IN))
    W2_l = jax.random.normal(ks[4], (D_HID, D_OUT), dtype=jnp.float32) * (1.0 / np.sqrt(D_HID))
    b2 = jnp.zeros((D_OUT,), dtype=jnp.float32)
    W2_r = jax.random.normal(ks[5], (D_HID, D_OUT), dtype=jnp.float32) * (1.0 / np.sqrt(D_HID))
    return {"x": x, "edge_index": edge_index, "W1_l": W1_l, "b1": b1, "W1_r": W1_r,
            "W2_l": W2_l, "b2": b2, "W2_r": W2_r}


def _sage_conv(x, edge_index, W_l, b_l, W_r):
    src = edge_index[0]
    dst = edge_index[1]
    msg = jnp.take(x, src, axis=0)                                   # gather over source nodes
    agg_sum = jax.ops.segment_sum(msg, dst, num_segments=N)           # scatter-add to dst nodes
    deg = jax.ops.segment_sum(jnp.ones((edge_index.shape[1],), x.dtype), dst, num_segments=N)
    mean = agg_sum / jnp.clip(deg, 1.0, None)[:, None]                # mean aggregation
    return mean @ W_l + b_l + x @ W_r


def reference(x, edge_index, W1_l, b1, W1_r, W2_l, b2, W2_r):
    # eval mode: dropout is a no-op, no nll loss branch
    h = jax.nn.relu(_sage_conv(x, edge_index, W1_l, b1, W1_r))
    out = _sage_conv(h, edge_index, W2_l, b2, W2_r)
    return jax.nn.log_softmax(out, axis=-1)

if __name__ == "__main__":
    import jax
    _d = setup_inputs()
    print(jax.jit(kernel)(*tuple(_d.values())))

</pallas_src>

<mosaic_0001>
#map = affine_map<(d0, d1) -> (0, 0)>
#map1 = affine_map<(d0, d1) -> (0, 0, 0, 0)>
#map2 = affine_map<(d0, d1) -> (0, 0, 0)>
module attributes {stable_mosaic.version = 14 : i64} {
  func.func @body(%arg0: i32, %arg1: i32, %arg2: memref<10000x64xf32, #tpu.memory_space<hbm>>, %arg3: memref<2x32x80x125xi32, #tpu.memory_space<hbm>>, %arg4: memref<640x64xf32, #tpu.memory_space<hbm>>, %arg5: memref<640x16xf32, #tpu.memory_space<hbm>>, %arg6: memref<125x16xf32, #tpu.memory_space<hbm>>, %arg7: memref<2x10240x64xf32, #tpu.memory_space<hbm>>, %arg8: memref<2x10240x16xf32, #tpu.memory_space<hbm>>, %arg9: memref<80x125xi32, #tpu.memory_space<vmem>>, %arg10: memref<80x125xi32, #tpu.memory_space<vmem>>, %arg11: memref<125x64xf32, #tpu.memory_space<vmem>>, %arg12: memref<125x64xf32, #tpu.memory_space<vmem>>, %arg13: memref<125x64xf32, #tpu.memory_space<vmem>>, %arg14: memref<125x64xf32, #tpu.memory_space<vmem>>, %arg15: memref<10240x64xf32, #tpu.memory_space<vmem_shared>>, %arg16: memref<!tpu.dma_semaphore, #tpu.memory_space<semaphore_mem>>, %arg17: memref<!tpu.dma_semaphore, #tpu.memory_space<semaphore_mem>>, %arg18: memref<!tpu.dma_semaphore, #tpu.memory_space<semaphore_mem>>, %arg19: memref<!tpu.dma_semaphore, #tpu.memory_space<semaphore_mem>>, %arg20: memref<125x16xf32, #tpu.memory_space<vmem>>, %arg21: memref<10240x16xf32, #tpu.memory_space<vmem_shared>>, %arg22: memref<!tpu.dma_semaphore, #tpu.memory_space<semaphore_mem>>) attributes {dimension_semantics = [#tpu.dimension_semantics<core_parallel>, #tpu.dimension_semantics<subcore_parallel>], iteration_bounds = array<i64: 2, 16>, scalar_prefetch = 0 : i64, scratch_operands = 14 : i64, tpu.core_type = #tpu.core_type<sc_vector_subcore>, window_params = [{transform_indices = #map}, {transform_indices = #map1}, {transform_indices = #map}, {transform_indices = #map}, {transform_indices = #map}, {transform_indices = #map2}, {transform_indices = #map2}]} {
    %mul3A = arith.constant 2 : i32
    %mul3A_0 = arith.muli %arg1, %mul3A : i32
    %add3A = arith.addi %mul3A_0, %arg0 : i32
    %run_scoped3A = arith.constant 0 : i32
    "tpu.region"() ({
      %run_scoped3A_53 = tpu.sem_alloc : memref<!tpu.dma_semaphore, #tpu.memory_space<semaphore_mem>>
      %dma_start3A_54 = arith.constant 0 : i32
      %dma_start3A_55 = arith.constant 0 : i32
      %dma_start3A_56 = tpu.memref_slice %arg3[%run_scoped3A, %add3A, %dma_start3A_54, %dma_start3A_55] : memref<2x32x80x125xi32, #tpu.memory_space<hbm>> -> memref<1x1x80x125xi32, #tpu.memory_space<hbm>>
      %dma_start3A_57 = tpu.memref_squeeze %dma_start3A_56 : memref<1x1x80x125xi32, #tpu.memory_space<hbm>> -> memref<80x125xi32, #tpu.memory_space<hbm>>
      %dma_start3A_58 = arith.constant 0 : i32
      %dma_start3A_59 = arith.constant 0 : i32
      %dma_start3A_60 = tpu.memref_slice %arg3[%run_scoped3A, %add3A, %dma_start3A_58, %dma_start3A_59] : memref<2x32x80x125xi32, #tpu.memory_space<hbm>> -> memref<1x1x80x125xi32, #tpu.memory_space<hbm>>
      %dma_start3A_61 = tpu.memref_squeeze %dma_start3A_60 : memref<1x1x80x125xi32, #tpu.memory_space<hbm>> -> memref<80x125xi32, #tpu.memory_space<hbm>>
      tpu.enqueue_dma source(%dma_start3A_61 : memref<80x125xi32, #tpu.memory_space<hbm>>) target(%arg9 : memref<80x125xi32, #tpu.memory_space<vmem>>) target_semaphore(%run_scoped3A_53 : memref<!tpu.dma_semaphore, #tpu.memory_space<semaphore_mem>>)
      %dma_wait3A = arith.constant 0 : i32
      %dma_wait3A_62 = arith.constant 0 : i32
      %dma_wait3A_63 = tpu.memref_slice %arg3[%run_scoped3A, %add3A, %dma_wait3A, %dma_wait3A_62] : memref<2x32x80x125xi32, #tpu.memory_space<hbm>> -> memref<1x1x80x125xi32, #tpu.memory_space<hbm>>
      %dma_wait3A_64 = tpu.memref_squeeze %dma_wait3A_63 : memref<1x1x80x125xi32, #tpu.memory_space<hbm>> -> memref<80x125xi32, #tpu.memory_space<hbm>>
      %dma_wait3A_65 = arith.constant 0 : i32
      %dma_wait3A_66 = arith.constant 0 : i32
      %dma_wait3A_67 = tpu.memref_slice %arg3[%run_scoped3A, %add3A, %dma_wait3A_65, %dma_wait3A_66] : memref<2x32x80x125xi32, #tpu.memory_space<hbm>> -> memref<1x1x80x125xi32, #tpu.memory_space<hbm>>
      %dma_wait3A_68 = tpu.memref_squeeze %dma_wait3A_67 : memref<1x1x80x125xi32, #tpu.memory_space<hbm>> -> memref<80x125xi32, #tpu.memory_space<hbm>>
      tpu.wait_dma2 semaphore(%run_scoped3A_53 : memref<!tpu.dma_semaphore, #tpu.memory_space<semaphore_mem>>) src(%dma_wait3A_68 : memref<80x125xi32, #tpu.memory_space<hbm>>) dst(%arg9 : memref<80x125xi32, #tpu.memory_space<vmem>>)
      tpu.yield
    }) : () -> ()
    %run_scoped3A_1 = arith.constant 1 : i32
    "tpu.region"() ({
      %run_scoped3A_53 = tpu.sem_alloc : memref<!tpu.dma_semaphore, #tpu.memory_space<semaphore_mem>>
      %dma_start3A_54 = arith.constant 0 : i32
      %dma_start3A_55 = arith.constant 0 : i32
      %dma_start3A_56 = tpu.memref_slice %arg3[%run_scoped3A_1, %add3A, %dma_start3A_54, %dma_start3A_55] : memref<2x32x80x125xi32, #tpu.memory_space<hbm>> -> memref<1x1x80x125xi32, #tpu.memory_space<hbm>>
      %dma_start3A_57 = tpu.memref_squeeze %dma_start3A_56 : memref<1x1x80x125xi32, #tpu.memory_space<hbm>> -> memref<80x125xi32, #tpu.memory_space<hbm>>
      %dma_start3A_58 = arith.constant 0 : i32
      %dma_start3A_59 = arith.constant 0 : i32
      %dma_start3A_60 = tpu.memref_slice %arg3[%run_scoped3A_1, %add3A, %dma_start3A_58, %dma_start3A_59] : memref<2x32x80x125xi32, #tpu.memory_space<hbm>> -> memref<1x1x80x125xi32, #tpu.memory_space<hbm>>
      %dma_start3A_61 = tpu.memref_squeeze %dma_start3A_60 : memref<1x1x80x125xi32, #tpu.memory_space<hbm>> -> memref<80x125xi32, #tpu.memory_space<hbm>>
      tpu.enqueue_dma source(%dma_start3A_61 : memref<80x125xi32, #tpu.memory_space<hbm>>) target(%arg10 : memref<80x125xi32, #tpu.memory_space<vmem>>) target_semaphore(%run_scoped3A_53 : memref<!tpu.dma_semaphore, #tpu.memory_space<semaphore_mem>>)
      %dma_wait3A = arith.constant 0 : i32
      %dma_wait3A_62 = arith.constant 0 : i32
      %dma_wait3A_63 = tpu.memref_slice %arg3[%run_scoped3A_1, %add3A, %dma_wait3A, %dma_wait3A_62] : memref<2x32x80x125xi32, #tpu.memory_space<hbm>> -> memref<1x1x80x125xi32, #tpu.memory_space<hbm>>
      %dma_wait3A_64 = tpu.memref_squeeze %dma_wait3A_63 : memref<1x1x80x125xi32, #tpu.memory_space<hbm>> -> memref<80x125xi32, #tpu.memory_space<hbm>>
      %dma_wait3A_65 = arith.constant 0 : i32
      %dma_wait3A_66 = arith.constant 0 : i32
      %dma_wait3A_67 = tpu.memref_slice %arg3[%run_scoped3A_1, %add3A, %dma_wait3A_65, %dma_wait3A_66] : memref<2x32x80x125xi32, #tpu.memory_space<hbm>> -> memref<1x1x80x125xi32, #tpu.memory_space<hbm>>
      %dma_wait3A_68 = tpu.memref_squeeze %dma_wait3A_67 : memref<1x1x80x125xi32, #tpu.memory_space<hbm>> -> memref<80x125xi32, #tpu.memory_space<hbm>>
      tpu.wait_dma2 semaphore(%run_scoped3A_53 : memref<!tpu.dma_semaphore, #tpu.memory_space<semaphore_mem>>) src(%dma_wait3A_68 : memref<80x125xi32, #tpu.memory_space<hbm>>) dst(%arg10 : memref<80x125xi32, #tpu.memory_space<vmem>>)
      tpu.yield
    }) : () -> ()
    %mul3A_2 = arith.constant 640 : i32
    %mul3A_3 = arith.muli %arg1, %mul3A_2 : i32
    "tpu.region"() ({
      %run_scoped3A_53 = tpu.sem_alloc : memref<!tpu.dma_semaphore, #tpu.memory_space<semaphore_mem>>
      %dma_start3A_54 = arith.constant 0 : i32
      %dma_start3A_55 = tpu.memref_slice %arg15[%mul3A_3, %dma_start3A_54] : memref<10240x64xf32, #tpu.memory_space<vmem_shared>> -> memref<640x64xf32, #tpu.memory_space<vmem_shared>>
      tpu.enqueue_dma source(%arg4 : memref<640x64xf32, #tpu.memory_space<hbm>>) target(%dma_start3A_55 : memref<640x64xf32, #tpu.memory_space<vmem_shared>>) target_semaphore(%run_scoped3A_53 : memref<!tpu.dma_semaphore, #tpu.memory_space<semaphore_mem>>)
      %dma_wait3A = arith.constant 0 : i32
      %dma_wait3A_56 = tpu.memref_slice %arg15[%mul3A_3, %dma_wait3A] : memref<10240x64xf32, #tpu.memory_space<vmem_shared>> -> memref<640x64xf32, #tpu.memory_space<vmem_shared>>
      tpu.wait_dma2 semaphore(%run_scoped3A_53 : memref<!tpu.dma_semaphore, #tpu.memory_space<semaphore_mem>>) src(%arg4 : memref<640x64xf32, #tpu.memory_space<hbm>>) dst(%dma_wait3A_56 : memref<640x64xf32, #tpu.memory_space<vmem_shared>>)
      tpu.yield
    }) : () -> ()
    "tpu.region"() ({
      %run_scoped3A_53 = tpu.sem_alloc : memref<!tpu.dma_semaphore, #tpu.memory_space<semaphore_mem>>
      tpu.enqueue_dma source(%arg6 : memref<125x16xf32, #tpu.memory_space<hbm>>) target(%arg20 : memref<125x16xf32, #tpu.memory_space<vmem>>) target_semaphore(%run_scoped3A_53 : memref<!tpu.dma_semaphore, #tpu.memory_space<semaphore_mem>>)
      tpu.wait_dma2 semaphore(%run_scoped3A_53 : memref<!tpu.dma_semaphore, #tpu.memory_space<semaphore_mem>>) src(%arg6 : memref<125x16xf32, #tpu.memory_space<hbm>>) dst(%arg20 : memref<125x16xf32, #tpu.memory_space<vmem>>)
      tpu.yield
    }) : () -> ()
    %mul3A_4 = arith.constant 640 : i32
    %mul3A_5 = arith.muli %arg1, %mul3A_4 : i32
    "tpu.region"() ({
      %run_scoped3A_53 = tpu.sem_alloc : memref<!tpu.dma_semaphore, #tpu.memory_space<semaphore_mem>>
      %dma_start3A_54 = arith.constant 0 : i32
      %dma_start3A_55 = tpu.memref_slice %arg21[%mul3A_5, %dma_start3A_54] : memref<10240x16xf32, #tpu.memory_space<vmem_shared>> -> memref<640x16xf32, #tpu.memory_space<vmem_shared>>
      tpu.enqueue_dma source(%arg5 : memref<640x16xf32, #tpu.memory_space<hbm>>) target(%dma_start3A_55 : memref<640x16xf32, #tpu.memory_space<vmem_shared>>) target_semaphore(%run_scoped3A_53 : memref<!tpu.dma_semaphore, #tpu.memory_space<semaphore_mem>>)
      %dma_wait3A = arith.constant 0 : i32
      %dma_wait3A_56 = tpu.memref_slice %arg21[%mul3A_5, %dma_wait3A] : memref<10240x16xf32, #tpu.memory_space<vmem_shared>> -> memref<640x16xf32, #tpu.memory_space<vmem_shared>>
      tpu.wait_dma2 semaphore(%run_scoped3A_53 : memref<!tpu.dma_semaphore, #tpu.memory_space<semaphore_mem>>) src(%arg5 : memref<640x16xf32, #tpu.memory_space<hbm>>) dst(%dma_wait3A_56 : memref<640x16xf32, #tpu.memory_space<vmem_shared>>)
      tpu.yield
    }) : () -> ()
    %barrier3A = arith.constant 0 : index
    tpu.barrier barrier_id(%barrier3A)
    %dma_start3A = arith.constant 0 : i32
    %dma_start3A_6 = arith.constant 0 : i32
    %dma_start3A_7 = tpu.memref_slice %arg9[%dma_start3A, %dma_start3A_6] : memref<80x125xi32, #tpu.memory_space<vmem>> -> memref<1x125xi32, #tpu.memory_space<vmem>>
    %dma_start3A_8 = tpu.memref_squeeze %dma_start3A_7 : memref<1x125xi32, #tpu.memory_space<vmem>> -> memref<125xi32, #tpu.memory_space<vmem>>
    %dma_start3A_9 = arith.constant 0 : i32
    %dma_start3A_10 = arith.constant 0 : i32
    %dma_start3A_11 = tpu.memref_slice %arg2[%dma_start3A_9, %dma_start3A_10] : memref<10000x64xf32, #tpu.memory_space<hbm>> -> memref<10000x64xf32, #tpu.memory_space<hbm>>
    tpu.enqueue_indirect_dma source(%dma_start3A_11 : memref<10000x64xf32, #tpu.memory_space<hbm>>) target(%arg11 : memref<125x64xf32, #tpu.memory_space<vmem>>) offsets(%dma_start3A_8 : memref<125xi32, #tpu.memory_space<vmem>>) semaphore(%arg16 : memref<!tpu.dma_semaphore, #tpu.memory_space<semaphore_mem>>)
    %dma_start3A_12 = arith.constant 1 : i32
    %dma_start3A_13 = arith.constant 0 : i32
    %dma_start3A_14 = tpu.memref_slice %arg9[%dma_start3A_12, %dma_start3A_13] : memref<80x125xi32, #tpu.memory_space<vmem>> -> memref<1x125xi32, #tpu.memory_space<vmem>>
    %dma_start3A_15 = tpu.memref_squeeze %dma_start3A_14 : memref<1x125xi32, #tpu.memory_space<vmem>> -> memref<125xi32, #tpu.memory_space<vmem>>
    %dma_start3A_16 = arith.constant 0 : i32
    %dma_start3A_17 = arith.constant 0 : i32
    %dma_start3A_18 = tpu.memref_slice %arg2[%dma_start3A_16, %dma_start3A_17] : memref<10000x64xf32, #tpu.memory_space<hbm>> -> memref<10000x64xf32, #tpu.memory_space<hbm>>
    tpu.enqueue_indirect_dma source(%dma_start3A_18 : memref<10000x64xf32, #tpu.memory_space<hbm>>) target(%arg12 : memref<125x64xf32, #tpu.memory_space<vmem>>) offsets(%dma_start3A_15 : memref<125xi32, #tpu.memory_space<vmem>>) semaphore(%arg17 : memref<!tpu.dma_semaphore, #tpu.memory_space<semaphore_mem>>)
    %dma_start3A_19 = arith.constant 2 : i32
    %dma_start3A_20 = arith.constant 0 : i32
    %dma_start3A_21 = tpu.memref_slice %arg9[%dma_start3A_19, %dma_start3A_20] : memref<80x125xi32, #tpu.memory_space<vmem>> -> memref<1x125xi32, #tpu.memory_space<vmem>>
    %dma_start3A_22 = tpu.memref_squeeze %dma_start3A_21 : memref<1x125xi32, #tpu.memory_space<vmem>> -> memref<125xi32, #tpu.memory_space<vmem>>
    %dma_start3A_23 = arith.constant 0 : i32
    %dma_start3A_24 = arith.constant 0 : i32
    %dma_start3A_25 = tpu.memref_slice %arg2[%dma_start3A_23, %dma_start3A_24] : memref<10000x64xf32, #tpu.memory_space<hbm>> -> memref<10000x64xf32, #tpu.memory_space<hbm>>
    tpu.enqueue_indirect_dma source(%dma_start3A_25 : memref<10000x64xf32, #tpu.memory_space<hbm>>) target(%arg13 : memref<125x64xf32, #tpu.memory_space<vmem>>) offsets(%dma_start3A_22 : memref<125xi32, #tpu.memory_space<vmem>>) semaphore(%arg18 : memref<!tpu.dma_semaphore, #tpu.memory_space<semaphore_mem>>)
    %dma_start3A_26 = arith.constant 3 : i32
    %dma_start3A_27 = arith.constant 0 : i32
    %dma_start3A_28 = tpu.memref_slice %arg9[%dma_start3A_26, %dma_start3A_27] : memref<80x125xi32, #tpu.memory_space<vmem>> -> memref<1x125xi32, #tpu.memory_space<vmem>>
    %dma_start3A_29 = tpu.memref_squeeze %dma_start3A_28 : memref<1x125xi32, #tpu.memory_space<vmem>> -> memref<125xi32, #tpu.memory_space<vmem>>
    %dma_start3A_30 = arith.constant 0 : i32
    %dma_start3A_31 = arith.constant 0 : i32
    %dma_start3A_32 = tpu.memref_slice %arg2[%dma_start3A_30, %dma_start3A_31] : memref<10000x64xf32, #tpu.memory_space<hbm>> -> memref<10000x64xf32, #tpu.memory_space<hbm>>
    tpu.enqueue_indirect_dma source(%dma_start3A_32 : memref<10000x64xf32, #tpu.memory_space<hbm>>) target(%arg14 : memref<125x64xf32, #tpu.memory_space<vmem>>) offsets(%dma_start3A_29 : memref<125xi32, #tpu.memory_space<vmem>>) semaphore(%arg19 : memref<!tpu.dma_semaphore, #tpu.memory_space<semaphore_mem>>)
    %scan3A = arith.constant 0 : i32
    %scan3A_33 = arith.constant 0 : i32
    %scan3A_34 = arith.constant 20 : i32
    %scan3A_35 = arith.addi %scan3A_33, %scan3A_34 : i32
    %scan3A_36 = arith.constant 1 : i32
    scf.for %scan3A_53 = %scan3A_33 to %scan3A_35 step %scan3A_36  : i32 {
      %mul3A_54 = arith.constant 4 : i32
      %mul3A_55 = arith.muli %mul3A_54, %scan3A_53 : i32
      %add3A_56 = arith.constant 0 : i32
      %add3A_57 = arith.addi %mul3A_55, %add3A_56 : i32
      %dma_wait3A = arith.constant 0 : i32
      %dma_wait3A_58 = tpu.memref_slice %arg9[%add3A_57, %dma_wait3A] : memref<80x125xi32, #tpu.memory_space<vmem>> -> memref<1x125xi32, #tpu.memory_space<vmem>>
      %dma_wait3A_59 = tpu.memref_squeeze %dma_wait3A_58 : memref<1x125xi32, #tpu.memory_space<vmem>> -> memref<125xi32, #tpu.memory_space<vmem>>
      %dma_wait3A_60 = arith.constant 0 : i32
      %dma_wait3A_61 = arith.constant 0 : i32
      %dma_wait3A_62 = tpu.memref_slice %arg2[%dma_wait3A_60, %dma_wait3A_61] : memref<10000x64xf32, #tpu.memory_space<hbm>> -> memref<10000x64xf32, #tpu.memory_space<hbm>>
      tpu.wait_indirect_dma semaphore(%arg16 : memref<!tpu.dma_semaphore, #tpu.memory_space<semaphore_mem>>) src(%dma_wait3A_62 : memref<10000x64xf32, #tpu.memory_space<hbm>>) dst(%arg11 : memref<125x64xf32, #tpu.memory_space<vmem>>)
      %add3A_63 = arith.constant 0 : i32
      %add3A_64 = arith.addi %mul3A_55, %add3A_63 : i32
      "tpu.region"() ({
        %run_scoped3A_160 = tpu.sem_alloc : memref<!tpu.dma_semaphore, #tpu.memory_space<semaphore_mem>>
        %dma_start3A_161 = arith.constant 0 : i32
        %dma_start3A_162 = tpu.memref_slice %arg10[%add3A_64, %dma_start3A_161] : memref<80x125xi32, #tpu.memory_space<vmem>> -> memref<1x125xi32, #tpu.memory_space<vmem>>
        %dma_start3A_163 = tpu.memref_squeeze %dma_start3A_162 : memref<1x125xi32, #tpu.memory_space<vmem>> -> memref<125xi32, #tpu.memory_space<vmem>>
        %dma_start3A_164 = arith.constant 0 : i32
        %dma_start3A_165 = arith.constant 0 : i32
        %dma_start3A_166 = tpu.memref_slice %arg15[%dma_start3A_164, %dma_start3A_165] : memref<10240x64xf32, #tpu.memory_space<vmem_shared>> -> memref<10240x64xf32, #tpu.memory_space<vmem_shared>>
        tpu.enqueue_indirect_dma source(%arg11 : memref<125x64xf32, #tpu.memory_space<vmem>>) target(%dma_start3A_166 : memref<10240x64xf32, #tpu.memory_space<vmem_shared>>) offsets(%dma_start3A_163 : memref<125xi32, #tpu.memory_space<vmem>>) semaphore(%run_scoped3A_160 : memref<!tpu.dma_semaphore, #tpu.memory_space<semaphore_mem>>) {add = true}
        %dma_wait3A_167 = arith.constant 0 : i32
        %dma_wait3A_168 = tpu.memref_slice %arg10[%add3A_64, %dma_wait3A_167] : memref<80x125xi32, #tpu.memory_space<vmem>> -> memref<1x125xi32, #tpu.memory_space<vmem>>
        %dma_wait3A_169 = tpu.memref_squeeze %dma_wait3A_168 : memref<1x125xi32, #tpu.memory_space<vmem>> -> memref<125xi32, #tpu.memory_space<vmem>>
        %dma_wait3A_170 = arith.constant 0 : i32
        %dma_wait3A_171 = arith.constant 0 : i32
        %dma_wait3A_172 = tpu.memref_slice %arg15[%dma_wait3A_170, %dma_wait3A_171] : memref<10240x64xf32, #tpu.memory_space<vmem_shared>> -> memref<10240x64xf32, #tpu.memory_space<vmem_shared>>
        tpu.wait_indirect_dma semaphore(%run_scoped3A_160 : memref<!tpu.dma_semaphore, #tpu.memory_space<semaphore_mem>>) src(%arg11 : memref<125x64xf32, #tpu.memory_space<vmem>>) dst(%dma_wait3A_172 : memref<10240x64xf32, #tpu.memory_space<vmem_shared>>)
        tpu.yield
      }) : () -> ()
      %add3A_65 = arith.constant 0 : i32
      %add3A_66 = arith.addi %mul3A_55, %add3A_65 : i32
      %dma_start3A_67 = arith.constant 0 : i32
      %dma_start3A_68 = tpu.memref_slice %arg10[%add3A_66, %dma_start3A_67] : memref<80x125xi32, #tpu.memory_space<vmem>> -> memref<1x125xi32, #tpu.memory_space<vmem>>
      %dma_start3A_69 = tpu.memref_squeeze %dma_start3A_68 : memref<1x125xi32, #tpu.memory_space<vmem>> -> memref<125xi32, #tpu.memory_space<vmem>>
      %dma_start3A_70 = arith.constant 0 : i32
      %dma_start3A_71 = arith.constant 0 : i32
      %dma_start3A_72 = tpu.memref_slice %arg21[%dma_start3A_70, %dma_start3A_71] : memref<10240x16xf32, #tpu.memory_space<vmem_shared>> -> memref<10240x16xf32, #tpu.memory_space<vmem_shared>>
      tpu.enqueue_indirect_dma source(%arg20 : memref<125x16xf32, #tpu.memory_space<vmem>>) target(%dma_start3A_72 : memref<10240x16xf32, #tpu.memory_space<vmem_shared>>) offsets(%dma_start3A_69 : memref<125xi32, #tpu.memory_space<vmem>>) semaphore(%arg22 : memref<!tpu.dma_semaphore, #tpu.memory_space<semaphore_mem>>) {add = true}
      %add3A_73 = arith.constant 0 : i32
      %add3A_74 = arith.addi %mul3A_55, %add3A_73 : i32
      %add3A_75 = arith.constant 4 : i32
      %add3A_76 = arith.addi %add3A_74, %add3A_75 : i32
      %lt3A = arith.constant 80 : i32
      %lt3A_77 = arith.cmpi slt, %add3A_76, %lt3A : i32
      %convert_element_type3A = arith.extui %lt3A_77 : i1 to i32
      %cond3A = arith.constant 0 : i32
      %cond3A_78 = arith.cmpi ne, %convert_element_type3A, %cond3A : i32
      scf.if %cond3A_78 {
        %add3A_160 = arith.constant 0 : i32
        %add3A_161 = arith.addi %mul3A_55, %add3A_160 : i32
        %add3A_162 = arith.constant 4 : i32
        %add3A_163 = arith.addi %add3A_161, %add3A_162 : i32
        %dma_start3A_164 = arith.constant 0 : i32
        %dma_start3A_165 = tpu.memref_slice %arg9[%add3A_163, %dma_start3A_164] : memref<80x125xi32, #tpu.memory_space<vmem>> -> memref<1x125xi32, #tpu.memory_space<vmem>>
        %dma_start3A_166 = tpu.memref_squeeze %dma_start3A_165 : memref<1x125xi32, #tpu.memory_space<vmem>> -> memref<125xi32, #tpu.memory_space<vmem>>
        %dma_start3A_167 = arith.constant 0 : i32
        %dma_start3A_168 = arith.constant 0 : i32
        %dma_start3A_169 = tpu.memref_slice %arg2[%dma_start3A_167, %dma_start3A_168] : memref<10000x64xf32, #tpu.memory_space<hbm>> -> memref<10000x64xf32, #tpu.memory_space<hbm>>
        tpu.enqueue_indirect_dma source(%dma_start3A_169 : memref<10000x64xf32, #tpu.memory_space<hbm>>) target(%arg11 : memref<125x64xf32, #tpu.memory_space<vmem>>) offsets(%dma_start3A_166 : memref<125xi32, #tpu.memory_space<vmem>>) semaphore(%arg16 : memref<!tpu.dma_semaphore, #tpu.memory_space<semaphore_mem>>)
      } else {
      }
      %add3A_79 = arith.constant 1 : i32
      %add3A_80 = arith.addi %mul3A_55, %add3A_79 : i32
      %dma_wait3A_81 = arith.constant 0 : i32
      %dma_wait3A_82 = tpu.memref_slice %arg9[%add3A_80, %dma_wait3A_81] : memref<80x125xi32, #tpu.memory_space<vmem>> -> memref<1x125xi32, #tpu.memory_space<vmem>>
      %dma_wait3A_83 = tpu.memref_squeeze %dma_wait3A_82 : memref<1x125xi32, #tpu.memory_space<vmem>> -> memref<125xi32, #tpu.memory_space<vmem>>
      %dma_wait3A_84 = arith.constant 0 : i32
      %dma_wait3A_85 = arith.constant 0 : i32
      %dma_wait3A_86 = tpu.memref_slice %arg2[%dma_wait3A_84, %dma_wait3A_85] : memref<10000x64xf32, #tpu.memory_space<hbm>> -> memref<10000x64xf32, #tpu.memory_space<hbm>>
      tpu.wait_indirect_dma semaphore(%arg17 : memref<!tpu.dma_semaphore, #tpu.memory_space<semaphore_mem>>) src(%dma_wait3A_86 : memref<10000x64xf32, #tpu.memory_space<hbm>>) dst(%arg12 : memref<125x64xf32, #tpu.memory_space<vmem>>)
      %add3A_87 = arith.constant 1 : i32
      %add3A_88 = arith.addi %mul3A_55, %add3A_87 : i32
      "tpu.region"() ({
        %run_scoped3A_160 = tpu.sem_alloc : memref<!tpu.dma_semaphore, #tpu.memory_space<semaphore_mem>>
        %dma_start3A_161 = arith.constant 0 : i32
        %dma_start3A_162 = tpu.memref_slice %arg10[%add3A_88, %dma_start3A_161] : memref<80x125xi32, #tpu.memory_space<vmem>> -> memref<1x125xi32, #tpu.memory_space<vmem>>
        %dma_start3A_163 = tpu.memref_squeeze %dma_start3A_162 : memref<1x125xi32, #tpu.memory_space<vmem>> -> memref<125xi32, #tpu.memory_space<vmem>>
        %dma_start3A_164 = arith.constant 0 : i32
        %dma_start3A_165 = arith.constant 0 : i32
        %dma_start3A_166 = tpu.memref_slice %arg15[%dma_start3A_164, %dma_start3A_165] : memref<10240x64xf32, #tpu.memory_space<vmem_shared>> -> memref<10240x64xf32, #tpu.memory_space<vmem_shared>>
        tpu.enqueue_indirect_dma source(%arg12 : memref<125x64xf32, #tpu.memory_space<vmem>>) target(%dma_start3A_166 : memref<10240x64xf32, #tpu.memory_space<vmem_shared>>) offsets(%dma_start3A_163 : memref<125xi32, #tpu.memory_space<vmem>>) semaphore(%run_scoped3A_160 : memref<!tpu.dma_semaphore, #tpu.memory_space<semaphore_mem>>) {add = true}
        %dma_wait3A_167 = arith.constant 0 : i32
        %dma_wait3A_168 = tpu.memref_slice %arg10[%add3A_88, %dma_wait3A_167] : memref<80x125xi32, #tpu.memory_space<vmem>> -> memref<1x125xi32, #tpu.memory_space<vmem>>
        %dma_wait3A_169 = tpu.memref_squeeze %dma_wait3A_168 : memref<1x125xi32, #tpu.memory_space<vmem>> -> memref<125xi32, #tpu.memory_space<vmem>>
        %dma_wait3A_170 = arith.constant 0 : i32
        %dma_wait3A_171 = arith.constant 0 : i32
        %dma_wait3A_172 = tpu.memref_slice %arg15[%dma_wait3A_170, %dma_wait3A_171] : memref<10240x64xf32, #tpu.memory_space<vmem_shared>> -> memref<10240x64xf32, #tpu.memory_space<vmem_shared>>
        tpu.wait_indirect_dma semaphore(%run_scoped3A_160 : memref<!tpu.dma_semaphore, #tpu.memory_space<semaphore_mem>>) src(%arg12 : memref<125x64xf32, #tpu.memory_space<vmem>>) dst(%dma_wait3A_172 : memref<10240x64xf32, #tpu.memory_space<vmem_shared>>)
        tpu.yield
      }) : () -> ()
      %add3A_89 = arith.constant 1 : i32
      %add3A_90 = arith.addi %mul3A_55, %add3A_89 : i32
      %dma_start3A_91 = arith.constant 0 : i32
      %dma_start3A_92 = tpu.memref_slice %arg10[%add3A_90, %dma_start3A_91] : memref<80x125xi32, #tpu.memory_space<vmem>> -> memref<1x125xi32, #tpu.memory_space<vmem>>
      %dma_start3A_93 = tpu.memref_squeeze %dma_start3A_92 : memref<1x125xi32, #tpu.memory_space<vmem>> -> memref<125xi32, #tpu.memory_space<vmem>>
      %dma_start3A_94 = arith.constant 0 : i32
      %dma_start3A_95 = arith.constant 0 : i32
      %dma_start3A_96 = tpu.memref_slice %arg21[%dma_start3A_94, %dma_start3A_95] : memref<10240x16xf32, #tpu.memory_space<vmem_shared>> -> memref<10240x16xf32, #tpu.memory_space<vmem_shared>>
      tpu.enqueue_indirect_dma source(%arg20 : memref<125x16xf32, #tpu.memory_space<vmem>>) target(%dma_start3A_96 : memref<10240x16xf32, #tpu.memory_space<vmem_shared>>) offsets(%dma_start3A_93 : memref<125xi32, #tpu.memory_space<vmem>>) semaphore(%arg22 : memref<!tpu.dma_semaphore, #tpu.memory_space<semaphore_mem>>) {add = true}
      %add3A_97 = arith.constant 1 : i32
      %add3A_98 = arith.addi %mul3A_55, %add3A_97 : i32
      %add3A_99 = arith.constant 4 : i32
      %add3A_100 = arith.addi %add3A_98, %add3A_99 : i32
      %lt3A_101 = arith.constant 80 : i32
      %lt3A_102 = arith.cmpi slt, %add3A_100, %lt3A_101 : i32
      %convert_element_type3A_103 = arith.extui %lt3A_102 : i1 to i32
      %cond3A_104 = arith.constant 0 : i32
      %cond3A_105 = arith.cmpi ne, %convert_element_type3A_103, %cond3A_104 : i32
      scf.if %cond3A_105 {
        %add3A_160 = arith.constant 1 : i32
        %add3A_161 = arith.addi %mul3A_55, %add3A_160 : i32
        %add3A_162 = arith.constant 4 : i32
        %add3A_163 = arith.addi %add3A_161, %add3A_162 : i32
        %dma_start3A_164 = arith.constant 0 : i32
        %dma_start3A_165 = tpu.memref_slice %arg9[%add3A_163, %dma_start3A_164] : memref<80x125xi32, #tpu.memory_space<vmem>> -> memref<1x125xi32, #tpu.memory_space<vmem>>
        %dma_start3A_166 = tpu.memref_squeeze %dma_start3A_165 : memref<1x125xi32, #tpu.memory_space<vmem>> -> memref<125xi32, #tpu.memory_space<vmem>>
        %dma_start3A_167 = arith.constant 0 : i32
        %dma_start3A_168 = arith.constant 0 : i32
        %dma_start3A_169 = tpu.memref_slice %arg2[%dma_start3A_167, %dma_start3A_168] : memref<10000x64xf32, #tpu.memory_space<hbm>> -> memref<10000x64xf32, #tpu.memory_space<hbm>>
        tpu.enqueue_indirect_dma source(%dma_start3A_169 : memref<10000x64xf32, #tpu.memory_space<hbm>>) target(%arg12 : memref<125x64xf32, #tpu.memory_space<vmem>>) offsets(%dma_start3A_166 : memref<125xi32, #tpu.memory_space<vmem>>) semaphore(%arg17 : memref<!tpu.dma_semaphore, #tpu.memory_space<semaphore_mem>>)
      } else {
      }
      %add3A_106 = arith.constant 2 : i32
      %add3A_107 = arith.addi %mul3A_55, %add3A_106 : i32
      %dma_wait3A_108 = arith.constant 0 : i32
      %dma_wait3A_109 = tpu.memref_slice %arg9[%add3A_107, %dma_wait3A_108] : memref<80x125xi32, #tpu.memory_space<vmem>> -> memref<1x125xi32, #tpu.memory_space<vmem>>
      %dma_wait3A_110 = tpu.memref_squeeze %dma_wait3A_109 : memref<1x125xi32, #tpu.memory_space<vmem>> -> memref<125xi32, #tpu.memory_space<vmem>>
      %dma_wait3A_111 = arith.constant 0 : i32
      %dma_wait3A_112 = arith.constant 0 : i32
      %dma_wait3A_113 = tpu.memref_slice %arg2[%dma_wait3A_111, %dma_wait3A_112] : memref<10000x64xf32, #tpu.memory_space<hbm>> -> memref<10000x64xf32, #tpu.memory_space<hbm>>
      tpu.wait_indirect_dma semaphore(%arg18 : memref<!tpu.dma_semaphore, #tpu.memory_space<semaphore_mem>>) src(%dma_wait3A_113 : memref<10000x64xf32, #tpu.memory_space<hbm>>) dst(%arg13 : memref<125x64xf32, #tpu.memory_space<vmem>>)
      %add3A_114 = arith.constant 2 : i32
      %add3A_115 = arith.addi %mul3A_55, %add3A_114 : i32
      "tpu.region"() ({
        %run_scoped3A_160 = tpu.sem_alloc : memref<!tpu.dma_semaphore, #tpu.memory_space<semaphore_mem>>
        %dma_start3A_161 = arith.constant 0 : i32
        %dma_start3A_162 = tpu.memref_slice %arg10[%add3A_115, %dma_start3A_161] : memref<80x125xi32, #tpu.memory_space<vmem>> -> memref<1x125xi32, #tpu.memory_space<vmem>>
        %dma_start3A_163 = tpu.memref_squeeze %dma_start3A_162 : memref<1x125xi32, #tpu.memory_space<vmem>> -> memref<125xi32, #tpu.memory_space<vmem>>
        %dma_start3A_164 = arith.constant 0 : i32
        %dma_start3A_165 = arith.constant 0 : i32
        %dma_start3A_166 = tpu.memref_slice %arg15[%dma_start3A_164, %dma_start3A_165] : memref<10240x64xf32, #tpu.memory_space<vmem_shared>> -> memref<10240x64xf32, #tpu.memory_space<vmem_shared>>
        tpu.enqueue_indirect_dma source(%arg13 : memref<125x64xf32, #tpu.memory_space<vmem>>) target(%dma_start3A_166 : memref<10240x64xf32, #tpu.memory_space<vmem_shared>>) offsets(%dma_start3A_163 : memref<125xi32, #tpu.memory_space<vmem>>) semaphore(%run_scoped3A_160 : memref<!tpu.dma_semaphore, #tpu.memory_space<semaphore_mem>>) {add = true}
        %dma_wait3A_167 = arith.constant 0 : i32
        %dma_wait3A_168 = tpu.memref_slice %arg10[%add3A_115, %dma_wait3A_167] : memref<80x125xi32, #tpu.memory_space<vmem>> -> memref<1x125xi32, #tpu.memory_space<vmem>>
        %dma_wait3A_169 = tpu.memref_squeeze %dma_wait3A_168 : memref<1x125xi32, #tpu.memory_space<vmem>> -> memref<125xi32, #tpu.memory_space<vmem>>
        %dma_wait3A_170 = arith.constant 0 : i32
        %dma_wait3A_171 = arith.constant 0 : i32
        %dma_wait3A_172 = tpu.memref_slice %arg15[%dma_wait3A_170, %dma_wait3A_171] : memref<10240x64xf32, #tpu.memory_space<vmem_shared>> -> memref<10240x64xf32, #tpu.memory_space<vmem_shared>>
        tpu.wait_indirect_dma semaphore(%run_scoped3A_160 : memref<!tpu.dma_semaphore, #tpu.memory_space<semaphore_mem>>) src(%arg13 : memref<125x64xf32, #tpu.memory_space<vmem>>) dst(%dma_wait3A_172 : memref<10240x64xf32, #tpu.memory_space<vmem_shared>>)
        tpu.yield
      }) : () -> ()
      %add3A_116 = arith.constant 2 : i32
      %add3A_117 = arith.addi %mul3A_55, %add3A_116 : i32
      %dma_start3A_118 = arith.constant 0 : i32
      %dma_start3A_119 = tpu.memref_slice %arg10[%add3A_117, %dma_start3A_118] : memref<80x125xi32, #tpu.memory_space<vmem>> -> memref<1x125xi32, #tpu.memory_space<vmem>>
      %dma_start3A_120 = tpu.memref_squeeze %dma_start3A_119 : memref<1x125xi32, #tpu.memory_space<vmem>> -> memref<125xi32, #tpu.memory_space<vmem>>
      %dma_start3A_121 = arith.constant 0 : i32
      %dma_start3A_122 = arith.constant 0 : i32
      %dma_start3A_123 = tpu.memref_slice %arg21[%dma_start3A_121, %dma_start3A_122] : memref<10240x16xf32, #tpu.memory_space<vmem_shared>> -> memref<10240x16xf32, #tpu.memory_space<vmem_shared>>
      tpu.enqueue_indirect_dma source(%arg20 : memref<125x16xf32, #tpu.memory_space<vmem>>) target(%dma_start3A_123 : memref<10240x16xf32, #tpu.memory_space<vmem_shared>>) offsets(%dma_start3A_120 : memref<125xi32, #tpu.memory_space<vmem>>) semaphore(%arg22 : memref<!tpu.dma_semaphore, #tpu.memory_space<semaphore_mem>>) {add = true}
      %add3A_124 = arith.constant 2 : i32
      %add3A_125 = arith.addi %mul3A_55, %add3A_124 : i32
      %add3A_126 = arith.constant 4 : i32
      %add3A_127 = arith.addi %add3A_125, %add3A_126 : i32
      %lt3A_128 = arith.constant 80 : i32
      %lt3A_129 = arith.cmpi slt, %add3A_127, %lt3A_128 : i32
      %convert_element_type3A_130 = arith.extui %lt3A_129 : i1 to i32
      %cond3A_131 = arith.constant 0 : i32
      %cond3A_132 = arith.cmpi ne, %convert_element_type3A_130, %cond3A_131 : i32
      scf.if %cond3A_132 {
        %add3A_160 = arith.constant 2 : i32
        %add3A_161 = arith.addi %mul3A_55, %add3A_160 : i32
        %add3A_162 = arith.constant 4 : i32
        %add3A_163 = arith.addi %add3A_161, %add3A_162 : i32
        %dma_start3A_164 = arith.constant 0 : i32
        %dma_start3A_165 = tpu.memref_slice %arg9[%add3A_163, %dma_start3A_164] : memref<80x125xi32, #tpu.memory_space<vmem>> -> memref<1x125xi32, #tpu.memory_space<vmem>>
        %dma_start3A_166 = tpu.memref_squeeze %dma_start3A_165 : memref<1x125xi32, #tpu.memory_space<vmem>> -> memref<125xi32, #tpu.memory_space<vmem>>
        %dma_start3A_167 = arith.constant 0 : i32
        %dma_start3A_168 = arith.constant 0 : i32
        %dma_start3A_169 = tpu.memref_slice %arg2[%dma_start3A_167, %dma_start3A_168] : memref<10000x64xf32, #tpu.memory_space<hbm>> -> memref<10000x64xf32, #tpu.memory_space<hbm>>
        tpu.enqueue_indirect_dma source(%dma_start3A_169 : memref<10000x64xf32, #tpu.memory_space<hbm>>) target(%arg13 : memref<125x64xf32, #tpu.memory_space<vmem>>) offsets(%dma_start3A_166 : memref<125xi32, #tpu.memory_space<vmem>>) semaphore(%arg18 : memref<!tpu.dma_semaphore, #tpu.memory_space<semaphore_mem>>)
      } else {
      }
      %add3A_133 = arith.constant 3 : i32
      %add3A_134 = arith.addi %mul3A_55, %add3A_133 : i32
      %dma_wait3A_135 = arith.constant 0 : i32
      %dma_wait3A_136 = tpu.memref_slice %arg9[%add3A_134, %dma_wait3A_135] : memref<80x125xi32, #tpu.memory_space<vmem>> -> memref<1x125xi32, #tpu.memory_space<vmem>>
      %dma_wait3A_137 = tpu.memref_squeeze %dma_wait3A_136 : memref<1x125xi32, #tpu.memory_space<vmem>> -> memref<125xi32, #tpu.memory_space<vmem>>
      %dma_wait3A_138 = arith.constant 0 : i32
      %dma_wait3A_139 = arith.constant 0 : i32
      %dma_wait3A_140 = tpu.memref_slice %arg2[%dma_wait3A_138, %dma_wait3A_139] : memref<10000x64xf32, #tpu.memory_space<hbm>> -> memref<10000x64xf32, #tpu.memory_space<hbm>>
      tpu.wait_indirect_dma semaphore(%arg19 : memref<!tpu.dma_semaphore, #tpu.memory_space<semaphore_mem>>) src(%dma_wait3A_140 : memref<10000x64xf32, #tpu.memory_space<hbm>>) dst(%arg14 : memref<125x64xf32, #tpu.memory_space<vmem>>)
      %add3A_141 = arith.constant 3 : i32
      %add3A_142 = arith.addi %mul3A_55, %add3A_141 : i32
      "tpu.region"() ({
        %run_scoped3A_160 = tpu.sem_alloc : memref<!tpu.dma_semaphore, #tpu.memory_space<semaphore_mem>>
        %dma_start3A_161 = arith.constant 0 : i32
        %dma_start3A_162 = tpu.memref_slice %arg10[%add3A_142, %dma_start3A_161] : memref<80x125xi32, #tpu.memory_space<vmem>> -> memref<1x125xi32, #tpu.memory_space<vmem>>
        %dma_start3A_163 = tpu.memref_squeeze %dma_start3A_162 : memref<1x125xi32, #tpu.memory_space<vmem>> -> memref<125xi32, #tpu.memory_space<vmem>>
        %dma_start3A_164 = arith.constant 0 : i32
        %dma_start3A_165 = arith.constant 0 : i32
        %dma_start3A_166 = tpu.memref_slice %arg15[%dma_start3A_164, %dma_start3A_165] : memref<10240x64xf32, #tpu.memory_space<vmem_shared>> -> memref<10240x64xf32, #tpu.memory_space<vmem_shared>>
        tpu.enqueue_indirect_dma source(%arg14 : memref<125x64xf32, #tpu.memory_space<vmem>>) target(%dma_start3A_166 : memref<10240x64xf32, #tpu.memory_space<vmem_shared>>) offsets(%dma_start3A_163 : memref<125xi32, #tpu.memory_space<vmem>>) semaphore(%run_scoped3A_160 : memref<!tpu.dma_semaphore, #tpu.memory_space<semaphore_mem>>) {add = true}
        %dma_wait3A_167 = arith.constant 0 : i32
        %dma_wait3A_168 = tpu.memref_slice %arg10[%add3A_142, %dma_wait3A_167] : memref<80x125xi32, #tpu.memory_space<vmem>> -> memref<1x125xi32, #tpu.memory_space<vmem>>
        %dma_wait3A_169 = tpu.memref_squeeze %dma_wait3A_168 : memref<1x125xi32, #tpu.memory_space<vmem>> -> memref<125xi32, #tpu.memory_space<vmem>>
        %dma_wait3A_170 = arith.constant 0 : i32
        %dma_wait3A_171 = arith.constant 0 : i32
        %dma_wait3A_172 = tpu.memref_slice %arg15[%dma_wait3A_170, %dma_wait3A_171] : memref<10240x64xf32, #tpu.memory_space<vmem_shared>> -> memref<10240x64xf32, #tpu.memory_space<vmem_shared>>
        tpu.wait_indirect_dma semaphore(%run_scoped3A_160 : memref<!tpu.dma_semaphore, #tpu.memory_space<semaphore_mem>>) src(%arg14 : memref<125x64xf32, #tpu.memory_space<vmem>>) dst(%dma_wait3A_172 : memref<10240x64xf32, #tpu.memory_space<vmem_shared>>)
        tpu.yield
      }) : () -> ()
      %add3A_143 = arith.constant 3 : i32
      %add3A_144 = arith.addi %mul3A_55, %add3A_143 : i32
      %dma_start3A_145 = arith.constant 0 : i32
      %dma_start3A_146 = tpu.memref_slice %arg10[%add3A_144, %dma_start3A_145] : memref<80x125xi32, #tpu.memory_space<vmem>> -> memref<1x125xi32, #tpu.memory_space<vmem>>
      %dma_start3A_147 = tpu.memref_squeeze %dma_start3A_146 : memref<1x125xi32, #tpu.memory_space<vmem>> -> memref<125xi32, #tpu.memory_space<vmem>>
      %dma_start3A_148 = arith.constant 0 : i32
      %dma_start3A_149 = arith.constant 0 : i32
      %dma_start3A_150 = tpu.memref_slice %arg21[%dma_start3A_148, %dma_start3A_149] : memref<10240x16xf32, #tpu.memory_space<vmem_shared>> -> memref<10240x16xf32, #tpu.memory_space<vmem_shared>>
      tpu.enqueue_indirect_dma source(%arg20 : memref<125x16xf32, #tpu.memory_space<vmem>>) target(%dma_start3A_150 : memref<10240x16xf32, #tpu.memory_space<vmem_shared>>) offsets(%dma_start3A_147 : memref<125xi32, #tpu.memory_space<vmem>>) semaphore(%arg22 : memref<!tpu.dma_semaphore, #tpu.memory_space<semaphore_mem>>) {add = true}
      %add3A_151 = arith.constant 3 : i32
      %add3A_152 = arith.addi %mul3A_55, %add3A_151 : i32
      %add3A_153 = arith.constant 4 : i32
      %add3A_154 = arith.addi %add3A_152, %add3A_153 : i32
      %lt3A_155 = arith.constant 80 : i32
      %lt3A_156 = arith.cmpi slt, %add3A_154, %lt3A_155 : i32
      %convert_element_type3A_157 = arith.extui %lt3A_156 : i1 to i32
      %cond3A_158 = arith.constant 0 : i32
      %cond3A_159 = arith.cmpi ne, %convert_element_type3A_157, %cond3A_158 : i32
      scf.if %cond3A_159 {
        %add3A_160 = arith.constant 3 : i32
        %add3A_161 = arith.addi %mul3A_55, %add3A_160 : i32
        %add3A_162 = arith.constant 4 : i32
        %add3A_163 = arith.addi %add3A_161, %add3A_162 : i32
        %dma_start3A_164 = arith.constant 0 : i32
        %dma_start3A_165 = tpu.memref_slice %arg9[%add3A_163, %dma_start3A_164] : memref<80x125xi32, #tpu.memory_space<vmem>> -> memref<1x125xi32, #tpu.memory_space<vmem>>
        %dma_start3A_166 = tpu.memref_squeeze %dma_start3A_165 : memref<1x125xi32, #tpu.memory_space<vmem>> -> memref<125xi32, #tpu.memory_space<vmem>>
        %dma_start3A_167 = arith.constant 0 : i32
        %dma_start3A_168 = arith.constant 0 : i32
        %dma_start3A_169 = tpu.memref_slice %arg2[%dma_start3A_167, %dma_start3A_168] : memref<10000x64xf32, #tpu.memory_space<hbm>> -> memref<10000x64xf32, #tpu.memory_space<hbm>>
        tpu.enqueue_indirect_dma source(%dma_start3A_169 : memref<10000x64xf32, #tpu.memory_space<hbm>>) target(%arg14 : memref<125x64xf32, #tpu.memory_space<vmem>>) offsets(%dma_start3A_166 : memref<125xi32, #tpu.memory_space<vmem>>) semaphore(%arg19 : memref<!tpu.dma_semaphore, #tpu.memory_space<semaphore_mem>>)
      } else {
      }
    }
    %scan3A_37 = arith.constant 20 : i32
    %scan3A_38 = arith.constant 0 : i32
    %scan3A_39 = arith.constant 0 : i32
    %scan3A_40 = arith.constant 80 : i32
    %scan3A_41 = arith.addi %scan3A_39, %scan3A_40 : i32
    %scan3A_42 = arith.constant 1 : i32
    scf.for %scan3A_53 = %scan3A_39 to %scan3A_41 step %scan3A_42  : i32 {
      %dma_wait3A = arith.constant 0 : i32
      %dma_wait3A_54 = arith.constant 0 : i32
      %dma_wait3A_55 = tpu.memref_slice %arg10[%dma_wait3A, %dma_wait3A_54] : memref<80x125xi32, #tpu.memory_space<vmem>> -> memref<1x125xi32, #tpu.memory_space<vmem>>
      %dma_wait3A_56 = tpu.memref_squeeze %dma_wait3A_55 : memref<1x125xi32, #tpu.memory_space<vmem>> -> memref<125xi32, #tpu.memory_space<vmem>>
      %dma_wait3A_57 = arith.constant 0 : i32
      %dma_wait3A_58 = arith.constant 0 : i32
      %dma_wait3A_59 = tpu.memref_slice %arg21[%dma_wait3A_57, %dma_wait3A_58] : memref<10240x16xf32, #tpu.memory_space<vmem_shared>> -> memref<10240x16xf32, #tpu.memory_space<vmem_shared>>
      tpu.wait_indirect_dma semaphore(%arg22 : memref<!tpu.dma_semaphore, #tpu.memory_space<semaphore_mem>>) src(%arg20 : memref<125x16xf32, #tpu.memory_space<vmem>>) dst(%dma_wait3A_59 : memref<10240x16xf32, #tpu.memory_space<vmem_shared>>)
    }
    %scan3A_43 = arith.constant 80 : i32
    %barrier3A_44 = arith.constant 0 : index
    tpu.barrier barrier_id(%barrier3A_44)
    %mul3A_45 = arith.constant 640 : i32
    %mul3A_46 = arith.muli %arg1, %mul3A_45 : i32
    %mul3A_47 = arith.constant 640 : i32
    %mul3A_48 = arith.muli %arg1, %mul3A_47 : i32
    "tpu.region"() ({
      %run_scoped3A_53 = tpu.sem_alloc : memref<!tpu.dma_semaphore, #tpu.memory_space<semaphore_mem>>
      %dma_start3A_54 = arith.constant 0 : i32
      %dma_start3A_55 = tpu.memref_slice %arg7[%arg0, %mul3A_48, %dma_start3A_54] : memref<2x10240x64xf32, #tpu.memory_space<hbm>> -> memref<1x640x64xf32, #tpu.memory_space<hbm>>
      %dma_start3A_56 = tpu.memref_squeeze %dma_start3A_55 : memref<1x640x64xf32, #tpu.memory_space<hbm>> -> memref<640x64xf32, #tpu.memory_space<hbm>>
      %dma_start3A_57 = arith.constant 0 : i32
      %dma_start3A_58 = tpu.memref_slice %arg15[%mul3A_46, %dma_start3A_57] : memref<10240x64xf32, #tpu.memory_space<vmem_shared>> -> memref<640x64xf32, #tpu.memory_space<vmem_shared>>
      tpu.enqueue_dma source(%dma_start3A_58 : memref<640x64xf32, #tpu.memory_space<vmem_shared>>) target(%dma_start3A_56 : memref<640x64xf32, #tpu.memory_space<hbm>>) target_semaphore(%run_scoped3A_53 : memref<!tpu.dma_semaphore, #tpu.memory_space<semaphore_mem>>)
      %dma_wait3A = arith.constant 0 : i32
      %dma_wait3A_59 = tpu.memref_slice %arg7[%arg0, %mul3A_48, %dma_wait3A] : memref<2x10240x64xf32, #tpu.memory_space<hbm>> -> memref<1x640x64xf32, #tpu.memory_space<hbm>>
      %dma_wait3A_60 = tpu.memref_squeeze %dma_wait3A_59 : memref<1x640x64xf32, #tpu.memory_space<hbm>> -> memref<640x64xf32, #tpu.memory_space<hbm>>
      %dma_wait3A_61 = arith.constant 0 : i32
      %dma_wait3A_62 = tpu.memref_slice %arg15[%mul3A_46, %dma_wait3A_61] : memref<10240x64xf32, #tpu.memory_space<vmem_shared>> -> memref<640x64xf32, #tpu.memory_space<vmem_shared>>
      tpu.wait_dma2 semaphore(%run_scoped3A_53 : memref<!tpu.dma_semaphore, #tpu.memory_space<semaphore_mem>>) src(%dma_wait3A_62 : memref<640x64xf32, #tpu.memory_space<vmem_shared>>) dst(%dma_wait3A_60 : memref<640x64xf32, #tpu.memory_space<hbm>>)
      tpu.yield
    }) : () -> ()
    %mul3A_49 = arith.constant 640 : i32
    %mul3A_50 = arith.muli %arg1, %mul3A_49 : i32
    %mul3A_51 = arith.constant 640 : i32
    %mul3A_52 = arith.muli %arg1, %mul3A_51 : i32
    "tpu.region"() ({
      %run_scoped3A_53 = tpu.sem_alloc : memref<!tpu.dma_semaphore, #tpu.memory_space<semaphore_mem>>
      %dma_start3A_54 = arith.constant 0 : i32
      %dma_start3A_55 = tpu.memref_slice %arg8[%arg0, %mul3A_52, %dma_start3A_54] : memref<2x10240x16xf32, #tpu.memory_space<hbm>> -> memref<1x640x16xf32, #tpu.memory_space<hbm>>
      %dma_start3A_56 = tpu.memref_squeeze %dma_start3A_55 : memref<1x640x16xf32, #tpu.memory_space<hbm>> -> memref<640x16xf32, #tpu.memory_space<hbm>>
      %dma_start3A_57 = arith.constant 0 : i32
      %dma_start3A_58 = tpu.memref_slice %arg21[%mul3A_50, %dma_start3A_57] : memref<10240x16xf32, #tpu.memory_space<vmem_shared>> -> memref<640x16xf32, #tpu.memory_space<vmem_shared>>
      tpu.enqueue_dma source(%dma_start3A_58 : memref<640x16xf32, #tpu.memory_space<vmem_shared>>) target(%dma_start3A_56 : memref<640x16xf32, #tpu.memory_space<hbm>>) target_semaphore(%run_scoped3A_53 : memref<!tpu.dma_semaphore, #tpu.memory_space<semaphore_mem>>)
      %dma_wait3A = arith.constant 0 : i32
      %dma_wait3A_59 = tpu.memref_slice %arg8[%arg0, %mul3A_52, %dma_wait3A] : memref<2x10240x16xf32, #tpu.memory_space<hbm>> -> memref<1x640x16xf32, #tpu.memory_space<hbm>>
      %dma_wait3A_60 = tpu.memref_squeeze %dma_wait3A_59 : memref<1x640x16xf32, #tpu.memory_space<hbm>> -> memref<640x16xf32, #tpu.memory_space<hbm>>
      %dma_wait3A_61 = arith.constant 0 : i32
      %dma_wait3A_62 = tpu.memref_slice %arg21[%mul3A_50, %dma_wait3A_61] : memref<10240x16xf32, #tpu.memory_space<vmem_shared>> -> memref<640x16xf32, #tpu.memory_space<vmem_shared>>
      tpu.wait_dma2 semaphore(%run_scoped3A_53 : memref<!tpu.dma_semaphore, #tpu.memory_space<semaphore_mem>>) src(%dma_wait3A_62 : memref<640x16xf32, #tpu.memory_space<vmem_shared>>) dst(%dma_wait3A_60 : memref<640x16xf32, #tpu.memory_space<hbm>>)
      tpu.yield
    }) : () -> ()
    return
  }
}

#map = affine_map<(d0, d1) -> (0, 0)>
#map1 = affine_map<(d0, d1) -> (0, 0, 0, 0)>
#map2 = affine_map<(d0, d1) -> (0, 0, 0)>
module attributes {stable_mosaic.version = 14 : i64} {
  func.func @body(%arg0: i32, %arg1: i32, %arg2: memref<10000x64xf32, #tpu.memory_space<hbm>>, %arg3: memref<2x32x80x125xi32, #tpu.memory_space<hbm>>, %arg4: memref<640x64xf32, #tpu.memory_space<hbm>>, %arg5: memref<2x10240x64xf32, #tpu.memory_space<hbm>>, %arg6: memref<80x125xi32, #tpu.memory_space<vmem>>, %arg7: memref<80x125xi32, #tpu.memory_space<vmem>>, %arg8: memref<125x64xf32, #tpu.memory_space<vmem>>, %arg9: memref<125x64xf32, #tpu.memory_space<vmem>>, %arg10: memref<125x64xf32, #tpu.memory_space<vmem>>, %arg11: memref<125x64xf32, #tpu.memory_space<vmem>>, %arg12: memref<10240x64xf32, #tpu.memory_space<vmem_shared>>, %arg13: memref<!tpu.dma_semaphore, #tpu.memory_space<semaphore_mem>>, %arg14: memref<!tpu.dma_semaphore, #tpu.memory_space<semaphore_mem>>, %arg15: memref<!tpu.dma_semaphore, #tpu.memory_space<semaphore_mem>>, %arg16: memref<!tpu.dma_semaphore, #tpu.memory_space<semaphore_mem>>) attributes {dimension_semantics = [#tpu.dimension_semantics<core_parallel>, #tpu.dimension_semantics<subcore_parallel>], iteration_bounds = array<i64: 2, 16>, scalar_prefetch = 0 : i64, scratch_operands = 11 : i64, tpu.core_type = #tpu.core_type<sc_vector_subcore>, window_params = [{transform_indices = #map}, {transform_indices = #map1}, {transform_indices = #map}, {transform_indices = #map2}]} {
    %mul3A = arith.constant 2 : i32
    %mul3A_0 = arith.muli %arg1, %mul3A : i32
    %add3A = arith.addi %mul3A_0, %arg0 : i32
    %run_scoped3A = arith.constant 0 : i32
    "tpu.region"() ({
      %run_scoped3A_41 = tpu.sem_alloc : memref<!tpu.dma_semaphore, #tpu.memory_space<semaphore_mem>>
      %dma_start3A_42 = arith.constant 0 : i32
      %dma_start3A_43 = arith.constant 0 : i32
      %dma_start3A_44 = tpu.memref_slice %arg3[%run_scoped3A, %add3A, %dma_start3A_42, %dma_start3A_43] : memref<2x32x80x125xi32, #tpu.memory_space<hbm>> -> memref<1x1x80x125xi32, #tpu.memory_space<hbm>>
      %dma_start3A_45 = tpu.memref_squeeze %dma_start3A_44 : memref<1x1x80x125xi32, #tpu.memory_space<hbm>> -> memref<80x125xi32, #tpu.memory_space<hbm>>
      %dma_start3A_46 = arith.constant 0 : i32
      %dma_start3A_47 = arith.constant 0 : i32
      %dma_start3A_48 = tpu.memref_slice %arg3[%run_scoped3A, %add3A, %dma_start3A_46, %dma_start3A_47] : memref<2x32x80x125xi32, #tpu.memory_space<hbm>> -> memref<1x1x80x125xi32, #tpu.memory_space<hbm>>
      %dma_start3A_49 = tpu.memref_squeeze %dma_start3A_48 : memref<1x1x80x125xi32, #tpu.memory_space<hbm>> -> memref<80x125xi32, #tpu.memory_space<hbm>>
      tpu.enqueue_dma source(%dma_start3A_49 : memref<80x125xi32, #tpu.memory_space<hbm>>) target(%arg6 : memref<80x125xi32, #tpu.memory_space<vmem>>) target_semaphore(%run_scoped3A_41 : memref<!tpu.dma_semaphore, #tpu.memory_space<semaphore_mem>>)
      %dma_wait3A = arith.constant 0 : i32
      %dma_wait3A_50 = arith.constant 0 : i32
      %dma_wait3A_51 = tpu.memref_slice %arg3[%run_scoped3A, %add3A, %dma_wait3A, %dma_wait3A_50] : memref<2x32x80x125xi32, #tpu.memory_space<hbm>> -> memref<1x1x80x125xi32, #tpu.memory_space<hbm>>
      %dma_wait3A_52 = tpu.memref_squeeze %dma_wait3A_51 : memref<1x1x80x125xi32, #tpu.memory_space<hbm>> -> memref<80x125xi32, #tpu.memory_space<hbm>>
      %dma_wait3A_53 = arith.constant 0 : i32
      %dma_wait3A_54 = arith.constant 0 : i32
      %dma_wait3A_55 = tpu.memref_slice %arg3[%run_scoped3A, %add3A, %dma_wait3A_53, %dma_wait3A_54] : memref<2x32x80x125xi32, #tpu.memory_space<hbm>> -> memref<1x1x80x125xi32, #tpu.memory_space<hbm>>
      %dma_wait3A_56 = tpu.memref_squeeze %dma_wait3A_55 : memref<1x1x80x125xi32, #tpu.memory_space<hbm>> -> memref<80x125xi32, #tpu.memory_space<hbm>>
      tpu.wait_dma2 semaphore(%run_scoped3A_41 : memref<!tpu.dma_semaphore, #tpu.memory_space<semaphore_mem>>) src(%dma_wait3A_56 : memref<80x125xi32, #tpu.memory_space<hbm>>) dst(%arg6 : memref<80x125xi32, #tpu.memory_space<vmem>>)
      tpu.yield
    }) : () -> ()
    %run_scoped3A_1 = arith.constant 1 : i32
    "tpu.region"() ({
      %run_scoped3A_41 = tpu.sem_alloc : memref<!tpu.dma_semaphore, #tpu.memory_space<semaphore_mem>>
      %dma_start3A_42 = arith.constant 0 : i32
      %dma_start3A_43 = arith.constant 0 : i32
      %dma_start3A_44 = tpu.memref_slice %arg3[%run_scoped3A_1, %add3A, %dma_start3A_42, %dma_start3A_43] : memref<2x32x80x125xi32, #tpu.memory_space<hbm>> -> memref<1x1x80x125xi32, #tpu.memory_space<hbm>>
      %dma_start3A_45 = tpu.memref_squeeze %dma_start3A_44 : memref<1x1x80x125xi32, #tpu.memory_space<hbm>> -> memref<80x125xi32, #tpu.memory_space<hbm>>
      %dma_start3A_46 = arith.constant 0 : i32
      %dma_start3A_47 = arith.constant 0 : i32
      %dma_start3A_48 = tpu.memref_slice %arg3[%run_scoped3A_1, %add3A, %dma_start3A_46, %dma_start3A_47] : memref<2x32x80x125xi32, #tpu.memory_space<hbm>> -> memref<1x1x80x125xi32, #tpu.memory_space<hbm>>
      %dma_start3A_49 = tpu.memref_squeeze %dma_start3A_48 : memref<1x1x80x125xi32, #tpu.memory_space<hbm>> -> memref<80x125xi32, #tpu.memory_space<hbm>>
      tpu.enqueue_dma source(%dma_start3A_49 : memref<80x125xi32, #tpu.memory_space<hbm>>) target(%arg7 : memref<80x125xi32, #tpu.memory_space<vmem>>) target_semaphore(%run_scoped3A_41 : memref<!tpu.dma_semaphore, #tpu.memory_space<semaphore_mem>>)
      %dma_wait3A = arith.constant 0 : i32
      %dma_wait3A_50 = arith.constant 0 : i32
      %dma_wait3A_51 = tpu.memref_slice %arg3[%run_scoped3A_1, %add3A, %dma_wait3A, %dma_wait3A_50] : memref<2x32x80x125xi32, #tpu.memory_space<hbm>> -> memref<1x1x80x125xi32, #tpu.memory_space<hbm>>
      %dma_wait3A_52 = tpu.memref_squeeze %dma_wait3A_51 : memref<1x1x80x125xi32, #tpu.memory_space<hbm>> -> memref<80x125xi32, #tpu.memory_space<hbm>>
      %dma_wait3A_53 = arith.constant 0 : i32
      %dma_wait3A_54 = arith.constant 0 : i32
      %dma_wait3A_55 = tpu.memref_slice %arg3[%run_scoped3A_1, %add3A, %dma_wait3A_53, %dma_wait3A_54] : memref<2x32x80x125xi32, #tpu.memory_space<hbm>> -> memref<1x1x80x125xi32, #tpu.memory_space<hbm>>
      %dma_wait3A_56 = tpu.memref_squeeze %dma_wait3A_55 : memref<1x1x80x125xi32, #tpu.memory_space<hbm>> -> memref<80x125xi32, #tpu.memory_space<hbm>>
      tpu.wait_dma2 semaphore(%run_scoped3A_41 : memref<!tpu.dma_semaphore, #tpu.memory_space<semaphore_mem>>) src(%dma_wait3A_56 : memref<80x125xi32, #tpu.memory_space<hbm>>) dst(%arg7 : memref<80x125xi32, #tpu.memory_space<vmem>>)
      tpu.yield
    }) : () -> ()
    %mul3A_2 = arith.constant 640 : i32
    %mul3A_3 = arith.muli %arg1, %mul3A_2 : i32
    "tpu.region"() ({
      %run_scoped3A_41 = tpu.sem_alloc : memref<!tpu.dma_semaphore, #tpu.memory_space<semaphore_mem>>
      %dma_start3A_42 = arith.constant 0 : i32
      %dma_start3A_43 = tpu.memref_slice %arg12[%mul3A_3, %dma_start3A_42] : memref<10240x64xf32, #tpu.memory_space<vmem_shared>> -> memref<640x64xf32, #tpu.memory_space<vmem_shared>>
      tpu.enqueue_dma source(%arg4 : memref<640x64xf32, #tpu.memory_space<hbm>>) target(%dma_start3A_43 : memref<640x64xf32, #tpu.memory_space<vmem_shared>>) target_semaphore(%run_scoped3A_41 : memref<!tpu.dma_semaphore, #tpu.memory_space<semaphore_mem>>)
      %dma_wait3A = arith.constant 0 : i32
      %dma_wait3A_44 = tpu.memref_slice %arg12[%mul3A_3, %dma_wait3A] : memref<10240x64xf32, #tpu.memory_space<vmem_shared>> -> memref<640x64xf32, #tpu.memory_space<vmem_shared>>
      tpu.wait_dma2 semaphore(%run_scoped3A_41 : memref<!tpu.dma_semaphore, #tpu.memory_space<semaphore_mem>>) src(%arg4 : memref<640x64xf32, #tpu.memory_space<hbm>>) dst(%dma_wait3A_44 : memref<640x64xf32, #tpu.memory_space<vmem_shared>>)
      tpu.yield
    }) : () -> ()
    %barrier3A = arith.constant 0 : index
    tpu.barrier barrier_id(%barrier3A)
    %dma_start3A = arith.constant 0 : i32
    %dma_start3A_4 = arith.constant 0 : i32
    %dma_start3A_5 = tpu.memref_slice %arg6[%dma_start3A, %dma_start3A_4] : memref<80x125xi32, #tpu.memory_space<vmem>> -> memref<1x125xi32, #tpu.memory_space<vmem>>
    %dma_start3A_6 = tpu.memref_squeeze %dma_start3A_5 : memref<1x125xi32, #tpu.memory_space<vmem>> -> memref<125xi32, #tpu.memory_space<vmem>>
    %dma_start3A_7 = arith.constant 0 : i32
    %dma_start3A_8 = arith.constant 0 : i32
    %dma_start3A_9 = tpu.memref_slice %arg2[%dma_start3A_7, %dma_start3A_8] : memref<10000x64xf32, #tpu.memory_space<hbm>> -> memref<10000x64xf32, #tpu.memory_space<hbm>>
    tpu.enqueue_indirect_dma source(%dma_start3A_9 : memref<10000x64xf32, #tpu.memory_space<hbm>>) target(%arg8 : memref<125x64xf32, #tpu.memory_space<vmem>>) offsets(%dma_start3A_6 : memref<125xi32, #tpu.memory_space<vmem>>) semaphore(%arg13 : memref<!tpu.dma_semaphore, #tpu.memory_space<semaphore_mem>>)
    %dma_start3A_10 = arith.constant 1 : i32
    %dma_start3A_11 = arith.constant 0 : i32
    %dma_start3A_12 = tpu.memref_slice %arg6[%dma_start3A_10, %dma_start3A_11] : memref<80x125xi32, #tpu.memory_space<vmem>> -> memref<1x125xi32, #tpu.memory_space<vmem>>
    %dma_start3A_13 = tpu.memref_squeeze %dma_start3A_12 : memref<1x125xi32, #tpu.memory_space<vmem>> -> memref<125xi32, #tpu.memory_space<vmem>>
    %dma_start3A_14 = arith.constant 0 : i32
    %dma_start3A_15 = arith.constant 0 : i32
    %dma_start3A_16 = tpu.memref_slice %arg2[%dma_start3A_14, %dma_start3A_15] : memref<10000x64xf32, #tpu.memory_space<hbm>> -> memref<10000x64xf32, #tpu.memory_space<hbm>>
    tpu.enqueue_indirect_dma source(%dma_start3A_16 : memref<10000x64xf32, #tpu.memory_space<hbm>>) target(%arg9 : memref<125x64xf32, #tpu.memory_space<vmem>>) offsets(%dma_start3A_13 : memref<125xi32, #tpu.memory_space<vmem>>) semaphore(%arg14 : memref<!tpu.dma_semaphore, #tpu.memory_space<semaphore_mem>>)
    %dma_start3A_17 = arith.constant 2 : i32
    %dma_start3A_18 = arith.constant 0 : i32
    %dma_start3A_19 = tpu.memref_slice %arg6[%dma_start3A_17, %dma_start3A_18] : memref<80x125xi32, #tpu.memory_space<vmem>> -> memref<1x125xi32, #tpu.memory_space<vmem>>
    %dma_start3A_20 = tpu.memref_squeeze %dma_start3A_19 : memref<1x125xi32, #tpu.memory_space<vmem>> -> memref<125xi32, #tpu.memory_space<vmem>>
    %dma_start3A_21 = arith.constant 0 : i32
    %dma_start3A_22 = arith.constant 0 : i32
    %dma_start3A_23 = tpu.memref_slice %arg2[%dma_start3A_21, %dma_start3A_22] : memref<10000x64xf32, #tpu.memory_space<hbm>> -> memref<10000x64xf32, #tpu.memory_space<hbm>>
    tpu.enqueue_indirect_dma source(%dma_start3A_23 : memref<10000x64xf32, #tpu.memory_space<hbm>>) target(%arg10 : memref<125x64xf32, #tpu.memory_space<vmem>>) offsets(%dma_start3A_20 : memref<125xi32, #tpu.memory_space<vmem>>) semaphore(%arg15 : memref<!tpu.dma_semaphore, #tpu.memory_space<semaphore_mem>>)
    %dma_start3A_24 = arith.constant 3 : i32
    %dma_start3A_25 = arith.constant 0 : i32
    %dma_start3A_26 = tpu.memref_slice %arg6[%dma_start3A_24, %dma_start3A_25] : memref<80x125xi32, #tpu.memory_space<vmem>> -> memref<1x125xi32, #tpu.memory_space<vmem>>
    %dma_start3A_27 = tpu.memref_squeeze %dma_start3A_26 : memref<1x125xi32, #tpu.memory_space<vmem>> -> memref<125xi32, #tpu.memory_space<vmem>>
    %dma_start3A_28 = arith.constant 0 : i32
    %dma_start3A_29 = arith.constant 0 : i32
    %dma_start3A_30 = tpu.memref_slice %arg2[%dma_start3A_28, %dma_start3A_29] : memref<10000x64xf32, #tpu.memory_space<hbm>> -> memref<10000x64xf32, #tpu.memory_space<hbm>>
    tpu.enqueue_indirect_dma source(%dma_start3A_30 : memref<10000x64xf32, #tpu.memory_space<hbm>>) target(%arg11 : memref<125x64xf32, #tpu.memory_space<vmem>>) offsets(%dma_start3A_27 : memref<125xi32, #tpu.memory_space<vmem>>) semaphore(%arg16 : memref<!tpu.dma_semaphore, #tpu.memory_space<semaphore_mem>>)
    %scan3A = arith.constant 0 : i32
    %scan3A_31 = arith.constant 0 : i32
    %scan3A_32 = arith.constant 20 : i32
    %scan3A_33 = arith.addi %scan3A_31, %scan3A_32 : i32
    %scan3A_34 = arith.constant 1 : i32
    scf.for %scan3A_41 = %scan3A_31 to %scan3A_33 step %scan3A_34  : i32 {
      %mul3A_42 = arith.constant 4 : i32
      %mul3A_43 = arith.muli %mul3A_42, %scan3A_41 : i32
      %add3A_44 = arith.constant 0 : i32
      %add3A_45 = arith.addi %mul3A_43, %add3A_44 : i32
      %dma_wait3A = arith.constant 0 : i32
      %dma_wait3A_46 = tpu.memref_slice %arg6[%add3A_45, %dma_wait3A] : memref<80x125xi32, #tpu.memory_space<vmem>> -> memref<1x125xi32, #tpu.memory_space<vmem>>
      %dma_wait3A_47 = tpu.memref_squeeze %dma_wait3A_46 : memref<1x125xi32, #tpu.memory_space<vmem>> -> memref<125xi32, #tpu.memory_space<vmem>>
      %dma_wait3A_48 = arith.constant 0 : i32
      %dma_wait3A_49 = arith.constant 0 : i32
      %dma_wait3A_50 = tpu.memref_slice %arg2[%dma_wait3A_48, %dma_wait3A_49] : memref<10000x64xf32, #tpu.memory_space<hbm>> -> memref<10000x64xf32, #tpu.memory_space<hbm>>
      tpu.wait_indirect_dma semaphore(%arg13 : memref<!tpu.dma_semaphore, #tpu.memory_space<semaphore_mem>>) src(%dma_wait3A_50 : memref<10000x64xf32, #tpu.memory_space<hbm>>) dst(%arg8 : memref<125x64xf32, #tpu.memory_space<vmem>>)
      %add3A_51 = arith.constant 0 : i32
      %add3A_52 = arith.addi %mul3A_43, %add3A_51 : i32
      "tpu.region"() ({
        %run_scoped3A_116 = tpu.sem_alloc : memref<!tpu.dma_semaphore, #tpu.memory_space<semaphore_mem>>
        %dma_start3A_117 = arith.constant 0 : i32
        %dma_start3A_118 = tpu.memref_slice %arg7[%add3A_52, %dma_start3A_117] : memref<80x125xi32, #tpu.memory_space<vmem>> -> memref<1x125xi32, #tpu.memory_space<vmem>>
        %dma_start3A_119 = tpu.memref_squeeze %dma_start3A_118 : memref<1x125xi32, #tpu.memory_space<vmem>> -> memref<125xi32, #tpu.memory_space<vmem>>
        %dma_start3A_120 = arith.constant 0 : i32
        %dma_start3A_121 = arith.constant 0 : i32
        %dma_start3A_122 = tpu.memref_slice %arg12[%dma_start3A_120, %dma_start3A_121] : memref<10240x64xf32, #tpu.memory_space<vmem_shared>> -> memref<10240x64xf32, #tpu.memory_space<vmem_shared>>
        tpu.enqueue_indirect_dma source(%arg8 : memref<125x64xf32, #tpu.memory_space<vmem>>) target(%dma_start3A_122 : memref<10240x64xf32, #tpu.memory_space<vmem_shared>>) offsets(%dma_start3A_119 : memref<125xi32, #tpu.memory_space<vmem>>) semaphore(%run_scoped3A_116 : memref<!tpu.dma_semaphore, #tpu.memory_space<semaphore_mem>>) {add = true}
        %dma_wait3A_123 = arith.constant 0 : i32
        %dma_wait3A_124 = tpu.memref_slice %arg7[%add3A_52, %dma_wait3A_123] : memref<80x125xi32, #tpu.memory_space<vmem>> -> memref<1x125xi32, #tpu.memory_space<vmem>>
        %dma_wait3A_125 = tpu.memref_squeeze %dma_wait3A_124 : memref<1x125xi32, #tpu.memory_space<vmem>> -> memref<125xi32, #tpu.memory_space<vmem>>
        %dma_wait3A_126 = arith.constant 0 : i32
        %dma_wait3A_127 = arith.constant 0 : i32
        %dma_wait3A_128 = tpu.memref_slice %arg12[%dma_wait3A_126, %dma_wait3A_127] : memref<10240x64xf32, #tpu.memory_space<vmem_shared>> -> memref<10240x64xf32, #tpu.memory_space<vmem_shared>>
        tpu.wait_indirect_dma semaphore(%run_scoped3A_116 : memref<!tpu.dma_semaphore, #tpu.memory_space<semaphore_mem>>) src(%arg8 : memref<125x64xf32, #tpu.memory_space<vmem>>) dst(%dma_wait3A_128 : memref<10240x64xf32, #tpu.memory_space<vmem_shared>>)
        tpu.yield
      }) : () -> ()
      %add3A_53 = arith.constant 0 : i32
      %add3A_54 = arith.addi %mul3A_43, %add3A_53 : i32
      %add3A_55 = arith.constant 4 : i32
      %add3A_56 = arith.addi %add3A_54, %add3A_55 : i32
      %lt3A = arith.constant 80 : i32
      %lt3A_57 = arith.cmpi slt, %add3A_56, %lt3A : i32
      %convert_element_type3A = arith.extui %lt3A_57 : i1 to i32
      %cond3A = arith.constant 0 : i32
      %cond3A_58 = arith.cmpi ne, %convert_element_type3A, %cond3A : i32
      scf.if %cond3A_58 {
        %add3A_116 = arith.constant 0 : i32
        %add3A_117 = arith.addi %mul3A_43, %add3A_116 : i32
        %add3A_118 = arith.constant 4 : i32
        %add3A_119 = arith.addi %add3A_117, %add3A_118 : i32
        %dma_start3A_120 = arith.constant 0 : i32
        %dma_start3A_121 = tpu.memref_slice %arg6[%add3A_119, %dma_start3A_120] : memref<80x125xi32, #tpu.memory_space<vmem>> -> memref<1x125xi32, #tpu.memory_space<vmem>>
        %dma_start3A_122 = tpu.memref_squeeze %dma_start3A_121 : memref<1x125xi32, #tpu.memory_space<vmem>> -> memref<125xi32, #tpu.memory_space<vmem>>
        %dma_start3A_123 = arith.constant 0 : i32
        %dma_start3A_124 = arith.constant 0 : i32
        %dma_start3A_125 = tpu.memref_slice %arg2[%dma_start3A_123, %dma_start3A_124] : memref<10000x64xf32, #tpu.memory_space<hbm>> -> memref<10000x64xf32, #tpu.memory_space<hbm>>
        tpu.enqueue_indirect_dma source(%dma_start3A_125 : memref<10000x64xf32, #tpu.memory_space<hbm>>) target(%arg8 : memref<125x64xf32, #tpu.memory_space<vmem>>) offsets(%dma_start3A_122 : memref<125xi32, #tpu.memory_space<vmem>>) semaphore(%arg13 : memref<!tpu.dma_semaphore, #tpu.memory_space<semaphore_mem>>)
      } else {
      }
      %add3A_59 = arith.constant 1 : i32
      %add3A_60 = arith.addi %mul3A_43, %add3A_59 : i32
      %dma_wait3A_61 = arith.constant 0 : i32
      %dma_wait3A_62 = tpu.memref_slice %arg6[%add3A_60, %dma_wait3A_61] : memref<80x125xi32, #tpu.memory_space<vmem>> -> memref<1x125xi32, #tpu.memory_space<vmem>>
      %dma_wait3A_63 = tpu.memref_squeeze %dma_wait3A_62 : memref<1x125xi32, #tpu.memory_space<vmem>> -> memref<125xi32, #tpu.memory_space<vmem>>
      %dma_wait3A_64 = arith.constant 0 : i32
      %dma_wait3A_65 = arith.constant 0 : i32
      %dma_wait3A_66 = tpu.memref_slice %arg2[%dma_wait3A_64, %dma_wait3A_65] : memref<10000x64xf32, #tpu.memory_space<hbm>> -> memref<10000x64xf32, #tpu.memory_space<hbm>>
      tpu.wait_indirect_dma semaphore(%arg14 : memref<!tpu.dma_semaphore, #tpu.memory_space<semaphore_mem>>) src(%dma_wait3A_66 : memref<10000x64xf32, #tpu.memory_space<hbm>>) dst(%arg9 : memref<125x64xf32, #tpu.memory_space<vmem>>)
      %add3A_67 = arith.constant 1 : i32
      %add3A_68 = arith.addi %mul3A_43, %add3A_67 : i32
      "tpu.region"() ({
        %run_scoped3A_116 = tpu.sem_alloc : memref<!tpu.dma_semaphore, #tpu.memory_space<semaphore_mem>>
        %dma_start3A_117 = arith.constant 0 : i32
        %dma_start3A_118 = tpu.memref_slice %arg7[%add3A_68, %dma_start3A_117] : memref<80x125xi32, #tpu.memory_space<vmem>> -> memref<1x125xi32, #tpu.memory_space<vmem>>
        %dma_start3A_119 = tpu.memref_squeeze %dma_start3A_118 : memref<1x125xi32, #tpu.memory_space<vmem>> -> memref<125xi32, #tpu.memory_space<vmem>>
        %dma_start3A_120 = arith.constant 0 : i32
        %dma_start3A_121 = arith.constant 0 : i32
        %dma_start3A_122 = tpu.memref_slice %arg12[%dma_start3A_120, %dma_start3A_121] : memref<10240x64xf32, #tpu.memory_space<vmem_shared>> -> memref<10240x64xf32, #tpu.memory_space<vmem_shared>>
        tpu.enqueue_indirect_dma source(%arg9 : memref<125x64xf32, #tpu.memory_space<vmem>>) target(%dma_start3A_122 : memref<10240x64xf32, #tpu.memory_space<vmem_shared>>) offsets(%dma_start3A_119 : memref<125xi32, #tpu.memory_space<vmem>>) semaphore(%run_scoped3A_116 : memref<!tpu.dma_semaphore, #tpu.memory_space<semaphore_mem>>) {add = true}
        %dma_wait3A_123 = arith.constant 0 : i32
        %dma_wait3A_124 = tpu.memref_slice %arg7[%add3A_68, %dma_wait3A_123] : memref<80x125xi32, #tpu.memory_space<vmem>> -> memref<1x125xi32, #tpu.memory_space<vmem>>
        %dma_wait3A_125 = tpu.memref_squeeze %dma_wait3A_124 : memref<1x125xi32, #tpu.memory_space<vmem>> -> memref<125xi32, #tpu.memory_space<vmem>>
        %dma_wait3A_126 = arith.constant 0 : i32
        %dma_wait3A_127 = arith.constant 0 : i32
        %dma_wait3A_128 = tpu.memref_slice %arg12[%dma_wait3A_126, %dma_wait3A_127] : memref<10240x64xf32, #tpu.memory_space<vmem_shared>> -> memref<10240x64xf32, #tpu.memory_space<vmem_shared>>
        tpu.wait_indirect_dma semaphore(%run_scoped3A_116 : memref<!tpu.dma_semaphore, #tpu.memory_space<semaphore_mem>>) src(%arg9 : memref<125x64xf32, #tpu.memory_space<vmem>>) dst(%dma_wait3A_128 : memref<10240x64xf32, #tpu.memory_space<vmem_shared>>)
        tpu.yield
      }) : () -> ()
      %add3A_69 = arith.constant 1 : i32
      %add3A_70 = arith.addi %mul3A_43, %add3A_69 : i32
      %add3A_71 = arith.constant 4 : i32
      %add3A_72 = arith.addi %add3A_70, %add3A_71 : i32
      %lt3A_73 = arith.constant 80 : i32
      %lt3A_74 = arith.cmpi slt, %add3A_72, %lt3A_73 : i32
      %convert_element_type3A_75 = arith.extui %lt3A_74 : i1 to i32
      %cond3A_76 = arith.constant 0 : i32
      %cond3A_77 = arith.cmpi ne, %convert_element_type3A_75, %cond3A_76 : i32
      scf.if %cond3A_77 {
        %add3A_116 = arith.constant 1 : i32
        %add3A_117 = arith.addi %mul3A_43, %add3A_116 : i32
        %add3A_118 = arith.constant 4 : i32
        %add3A_119 = arith.addi %add3A_117, %add3A_118 : i32
        %dma_start3A_120 = arith.constant 0 : i32
        %dma_start3A_121 = tpu.memref_slice %arg6[%add3A_119, %dma_start3A_120] : memref<80x125xi32, #tpu.memory_space<vmem>> -> memref<1x125xi32, #tpu.memory_space<vmem>>
        %dma_start3A_122 = tpu.memref_squeeze %dma_start3A_121 : memref<1x125xi32, #tpu.memory_space<vmem>> -> memref<125xi32, #tpu.memory_space<vmem>>
        %dma_start3A_123 = arith.constant 0 : i32
        %dma_start3A_124 = arith.constant 0 : i32
        %dma_start3A_125 = tpu.memref_slice %arg2[%dma_start3A_123, %dma_start3A_124] : memref<10000x64xf32, #tpu.memory_space<hbm>> -> memref<10000x64xf32, #tpu.memory_space<hbm>>
        tpu.enqueue_indirect_dma source(%dma_start3A_125 : memref<10000x64xf32, #tpu.memory_space<hbm>>) target(%arg9 : memref<125x64xf32, #tpu.memory_space<vmem>>) offsets(%dma_start3A_122 : memref<125xi32, #tpu.memory_space<vmem>>) semaphore(%arg14 : memref<!tpu.dma_semaphore, #tpu.memory_space<semaphore_mem>>)
      } else {
      }
      %add3A_78 = arith.constant 2 : i32
      %add3A_79 = arith.addi %mul3A_43, %add3A_78 : i32
      %dma_wait3A_80 = arith.constant 0 : i32
      %dma_wait3A_81 = tpu.memref_slice %arg6[%add3A_79, %dma_wait3A_80] : memref<80x125xi32, #tpu.memory_space<vmem>> -> memref<1x125xi32, #tpu.memory_space<vmem>>
      %dma_wait3A_82 = tpu.memref_squeeze %dma_wait3A_81 : memref<1x125xi32, #tpu.memory_space<vmem>> -> memref<125xi32, #tpu.memory_space<vmem>>
      %dma_wait3A_83 = arith.constant 0 : i32
      %dma_wait3A_84 = arith.constant 0 : i32
      %dma_wait3A_85 = tpu.memref_slice %arg2[%dma_wait3A_83, %dma_wait3A_84] : memref<10000x64xf32, #tpu.memory_space<hbm>> -> memref<10000x64xf32, #tpu.memory_space<hbm>>
      tpu.wait_indirect_dma semaphore(%arg15 : memref<!tpu.dma_semaphore, #tpu.memory_space<semaphore_mem>>) src(%dma_wait3A_85 : memref<10000x64xf32, #tpu.memory_space<hbm>>) dst(%arg10 : memref<125x64xf32, #tpu.memory_space<vmem>>)
      %add3A_86 = arith.constant 2 : i32
      %add3A_87 = arith.addi %mul3A_43, %add3A_86 : i32
      "tpu.region"() ({
        %run_scoped3A_116 = tpu.sem_alloc : memref<!tpu.dma_semaphore, #tpu.memory_space<semaphore_mem>>
        %dma_start3A_117 = arith.constant 0 : i32
        %dma_start3A_118 = tpu.memref_slice %arg7[%add3A_87, %dma_start3A_117] : memref<80x125xi32, #tpu.memory_space<vmem>> -> memref<1x125xi32, #tpu.memory_space<vmem>>
        %dma_start3A_119 = tpu.memref_squeeze %dma_start3A_118 : memref<1x125xi32, #tpu.memory_space<vmem>> -> memref<125xi32, #tpu.memory_space<vmem>>
        %dma_start3A_120 = arith.constant 0 : i32
        %dma_start3A_121 = arith.constant 0 : i32
        %dma_start3A_122 = tpu.memref_slice %arg12[%dma_start3A_120, %dma_start3A_121] : memref<10240x64xf32, #tpu.memory_space<vmem_shared>> -> memref<10240x64xf32, #tpu.memory_space<vmem_shared>>
        tpu.enqueue_indirect_dma source(%arg10 : memref<125x64xf32, #tpu.memory_space<vmem>>) target(%dma_start3A_122 : memref<10240x64xf32, #tpu.memory_space<vmem_shared>>) offsets(%dma_start3A_119 : memref<125xi32, #tpu.memory_space<vmem>>) semaphore(%run_scoped3A_116 : memref<!tpu.dma_semaphore, #tpu.memory_space<semaphore_mem>>) {add = true}
        %dma_wait3A_123 = arith.constant 0 : i32
        %dma_wait3A_124 = tpu.memref_slice %arg7[%add3A_87, %dma_wait3A_123] : memref<80x125xi32, #tpu.memory_space<vmem>> -> memref<1x125xi32, #tpu.memory_space<vmem>>
        %dma_wait3A_125 = tpu.memref_squeeze %dma_wait3A_124 : memref<1x125xi32, #tpu.memory_space<vmem>> -> memref<125xi32, #tpu.memory_space<vmem>>
        %dma_wait3A_126 = arith.constant 0 : i32
        %dma_wait3A_127 = arith.constant 0 : i32
        %dma_wait3A_128 = tpu.memref_slice %arg12[%dma_wait3A_126, %dma_wait3A_127] : memref<10240x64xf32, #tpu.memory_space<vmem_shared>> -> memref<10240x64xf32, #tpu.memory_space<vmem_shared>>
        tpu.wait_indirect_dma semaphore(%run_scoped3A_116 : memref<!tpu.dma_semaphore, #tpu.memory_space<semaphore_mem>>) src(%arg10 : memref<125x64xf32, #tpu.memory_space<vmem>>) dst(%dma_wait3A_128 : memref<10240x64xf32, #tpu.memory_space<vmem_shared>>)
        tpu.yield
      }) : () -> ()
      %add3A_88 = arith.constant 2 : i32
      %add3A_89 = arith.addi %mul3A_43, %add3A_88 : i32
      %add3A_90 = arith.constant 4 : i32
      %add3A_91 = arith.addi %add3A_89, %add3A_90 : i32
      %lt3A_92 = arith.constant 80 : i32
      %lt3A_93 = arith.cmpi slt, %add3A_91, %lt3A_92 : i32
      %convert_element_type3A_94 = arith.extui %lt3A_93 : i1 to i32
      %cond3A_95 = arith.constant 0 : i32
      %cond3A_96 = arith.cmpi ne, %convert_element_type3A_94, %cond3A_95 : i32
      scf.if %cond3A_96 {
        %add3A_116 = arith.constant 2 : i32
        %add3A_117 = arith.addi %mul3A_43, %add3A_116 : i32
        %add3A_118 = arith.constant 4 : i32
        %add3A_119 = arith.addi %add3A_117, %add3A_118 : i32
        %dma_start3A_120 = arith.constant 0 : i32
        %dma_start3A_121 = tpu.memref_slice %arg6[%add3A_119, %dma_start3A_120] : memref<80x125xi32, #tpu.memory_space<vmem>> -> memref<1x125xi32, #tpu.memory_space<vmem>>
        %dma_start3A_122 = tpu.memref_squeeze %dma_start3A_121 : memref<1x125xi32, #tpu.memory_space<vmem>> -> memref<125xi32, #tpu.memory_space<vmem>>
        %dma_start3A_123 = arith.constant 0 : i32
        %dma_start3A_124 = arith.constant 0 : i32
        %dma_start3A_125 = tpu.memref_slice %arg2[%dma_start3A_123, %dma_start3A_124] : memref<10000x64xf32, #tpu.memory_space<hbm>> -> memref<10000x64xf32, #tpu.memory_space<hbm>>
        tpu.enqueue_indirect_dma source(%dma_start3A_125 : memref<10000x64xf32, #tpu.memory_space<hbm>>) target(%arg10 : memref<125x64xf32, #tpu.memory_space<vmem>>) offsets(%dma_start3A_122 : memref<125xi32, #tpu.memory_space<vmem>>) semaphore(%arg15 : memref<!tpu.dma_semaphore, #tpu.memory_space<semaphore_mem>>)
      } else {
      }
      %add3A_97 = arith.constant 3 : i32
      %add3A_98 = arith.addi %mul3A_43, %add3A_97 : i32
      %dma_wait3A_99 = arith.constant 0 : i32
      %dma_wait3A_100 = tpu.memref_slice %arg6[%add3A_98, %dma_wait3A_99] : memref<80x125xi32, #tpu.memory_space<vmem>> -> memref<1x125xi32, #tpu.memory_space<vmem>>
      %dma_wait3A_101 = tpu.memref_squeeze %dma_wait3A_100 : memref<1x125xi32, #tpu.memory_space<vmem>> -> memref<125xi32, #tpu.memory_space<vmem>>
      %dma_wait3A_102 = arith.constant 0 : i32
      %dma_wait3A_103 = arith.constant 0 : i32
      %dma_wait3A_104 = tpu.memref_slice %arg2[%dma_wait3A_102, %dma_wait3A_103] : memref<10000x64xf32, #tpu.memory_space<hbm>> -> memref<10000x64xf32, #tpu.memory_space<hbm>>
      tpu.wait_indirect_dma semaphore(%arg16 : memref<!tpu.dma_semaphore, #tpu.memory_space<semaphore_mem>>) src(%dma_wait3A_104 : memref<10000x64xf32, #tpu.memory_space<hbm>>) dst(%arg11 : memref<125x64xf32, #tpu.memory_space<vmem>>)
      %add3A_105 = arith.constant 3 : i32
      %add3A_106 = arith.addi %mul3A_43, %add3A_105 : i32
      "tpu.region"() ({
        %run_scoped3A_116 = tpu.sem_alloc : memref<!tpu.dma_semaphore, #tpu.memory_space<semaphore_mem>>
        %dma_start3A_117 = arith.constant 0 : i32
        %dma_start3A_118 = tpu.memref_slice %arg7[%add3A_106, %dma_start3A_117] : memref<80x125xi32, #tpu.memory_space<vmem>> -> memref<1x125xi32, #tpu.memory_space<vmem>>
        %dma_start3A_119 = tpu.memref_squeeze %dma_start3A_118 : memref<1x125xi32, #tpu.memory_space<vmem>> -> memref<125xi32, #tpu.memory_space<vmem>>
        %dma_start3A_120 = arith.constant 0 : i32
        %dma_start3A_121 = arith.constant 0 : i32
        %dma_start3A_122 = tpu.memref_slice %arg12[%dma_start3A_120, %dma_start3A_121] : memref<10240x64xf32, #tpu.memory_space<vmem_shared>> -> memref<10240x64xf32, #tpu.memory_space<vmem_shared>>
        tpu.enqueue_indirect_dma source(%arg11 : memref<125x64xf32, #tpu.memory_space<vmem>>) target(%dma_start3A_122 : memref<10240x64xf32, #tpu.memory_space<vmem_shared>>) offsets(%dma_start3A_119 : memref<125xi32, #tpu.memory_space<vmem>>) semaphore(%run_scoped3A_116 : memref<!tpu.dma_semaphore, #tpu.memory_space<semaphore_mem>>) {add = true}
        %dma_wait3A_123 = arith.constant 0 : i32
        %dma_wait3A_124 = tpu.memref_slice %arg7[%add3A_106, %dma_wait3A_123] : memref<80x125xi32, #tpu.memory_space<vmem>> -> memref<1x125xi32, #tpu.memory_space<vmem>>
        %dma_wait3A_125 = tpu.memref_squeeze %dma_wait3A_124 : memref<1x125xi32, #tpu.memory_space<vmem>> -> memref<125xi32, #tpu.memory_space<vmem>>
        %dma_wait3A_126 = arith.constant 0 : i32
        %dma_wait3A_127 = arith.constant 0 : i32
        %dma_wait3A_128 = tpu.memref_slice %arg12[%dma_wait3A_126, %dma_wait3A_127] : memref<10240x64xf32, #tpu.memory_space<vmem_shared>> -> memref<10240x64xf32, #tpu.memory_space<vmem_shared>>
        tpu.wait_indirect_dma semaphore(%run_scoped3A_116 : memref<!tpu.dma_semaphore, #tpu.memory_space<semaphore_mem>>) src(%arg11 : memref<125x64xf32, #tpu.memory_space<vmem>>) dst(%dma_wait3A_128 : memref<10240x64xf32, #tpu.memory_space<vmem_shared>>)
        tpu.yield
      }) : () -> ()
      %add3A_107 = arith.constant 3 : i32
      %add3A_108 = arith.addi %mul3A_43, %add3A_107 : i32
      %add3A_109 = arith.constant 4 : i32
      %add3A_110 = arith.addi %add3A_108, %add3A_109 : i32
      %lt3A_111 = arith.constant 80 : i32
      %lt3A_112 = arith.cmpi slt, %add3A_110, %lt3A_111 : i32
      %convert_element_type3A_113 = arith.extui %lt3A_112 : i1 to i32
      %cond3A_114 = arith.constant 0 : i32
      %cond3A_115 = arith.cmpi ne, %convert_element_type3A_113, %cond3A_114 : i32
      scf.if %cond3A_115 {
        %add3A_116 = arith.constant 3 : i32
        %add3A_117 = arith.addi %mul3A_43, %add3A_116 : i32
        %add3A_118 = arith.constant 4 : i32
        %add3A_119 = arith.addi %add3A_117, %add3A_118 : i32
        %dma_start3A_120 = arith.constant 0 : i32
        %dma_start3A_121 = tpu.memref_slice %arg6[%add3A_119, %dma_start3A_120] : memref<80x125xi32, #tpu.memory_space<vmem>> -> memref<1x125xi32, #tpu.memory_space<vmem>>
        %dma_start3A_122 = tpu.memref_squeeze %dma_start3A_121 : memref<1x125xi32, #tpu.memory_space<vmem>> -> memref<125xi32, #tpu.memory_space<vmem>>
        %dma_start3A_123 = arith.constant 0 : i32
        %dma_start3A_124 = arith.constant 0 : i32
        %dma_start3A_125 = tpu.memref_slice %arg2[%dma_start3A_123, %dma_start3A_124] : memref<10000x64xf32, #tpu.memory_space<hbm>> -> memref<10000x64xf32, #tpu.memory_space<hbm>>
        tpu.enqueue_indirect_dma source(%dma_start3A_125 : memref<10000x64xf32, #tpu.memory_space<hbm>>) target(%arg11 : memref<125x64xf32, #tpu.memory_space<vmem>>) offsets(%dma_start3A_122 : memref<125xi32, #tpu.memory_space<vmem>>) semaphore(%arg16 : memref<!tpu.dma_semaphore, #tpu.memory_space<semaphore_mem>>)
      } else {
      }
    }
    %scan3A_35 = arith.constant 20 : i32
    %barrier3A_36 = arith.constant 0 : index
    tpu.barrier barrier_id(%barrier3A_36)
    %mul3A_37 = arith.constant 640 : i32
    %mul3A_38 = arith.muli %arg1, %mul3A_37 : i32
    %mul3A_39 = arith.constant 640 : i32
    %mul3A_40 = arith.muli %arg1, %mul3A_39 : i32
    "tpu.region"() ({
      %run_scoped3A_41 = tpu.sem_alloc : memref<!tpu.dma_semaphore, #tpu.memory_space<semaphore_mem>>
      %dma_start3A_42 = arith.constant 0 : i32
      %dma_start3A_43 = tpu.memref_slice %arg5[%arg0, %mul3A_40, %dma_start3A_42] : memref<2x10240x64xf32, #tpu.memory_space<hbm>> -> memref<1x640x64xf32, #tpu.memory_space<hbm>>
      %dma_start3A_44 = tpu.memref_squeeze %dma_start3A_43 : memref<1x640x64xf32, #tpu.memory_space<hbm>> -> memref<640x64xf32, #tpu.memory_space<hbm>>
      %dma_start3A_45 = arith.constant 0 : i32
      %dma_start3A_46 = tpu.memref_slice %arg12[%mul3A_38, %dma_start3A_45] : memref<10240x64xf32, #tpu.memory_space<vmem_shared>> -> memref<640x64xf32, #tpu.memory_space<vmem_shared>>
      tpu.enqueue_dma source(%dma_start3A_46 : memref<640x64xf32, #tpu.memory_space<vmem_shared>>) target(%dma_start3A_44 : memref<640x64xf32, #tpu.memory_space<hbm>>) target_semaphore(%run_scoped3A_41 : memref<!tpu.dma_semaphore, #tpu.memory_space<semaphore_mem>>)
      %dma_wait3A = arith.constant 0 : i32
      %dma_wait3A_47 = tpu.memref_slice %arg5[%arg0, %mul3A_40, %dma_wait3A] : memref<2x10240x64xf32, #tpu.memory_space<hbm>> -> memref<1x640x64xf32, #tpu.memory_space<hbm>>
      %dma_wait3A_48 = tpu.memref_squeeze %dma_wait3A_47 : memref<1x640x64xf32, #tpu.memory_space<hbm>> -> memref<640x64xf32, #tpu.memory_space<hbm>>
      %dma_wait3A_49 = arith.constant 0 : i32
      %dma_wait3A_50 = tpu.memref_slice %arg12[%mul3A_38, %dma_wait3A_49] : memref<10240x64xf32, #tpu.memory_space<vmem_shared>> -> memref<640x64xf32, #tpu.memory_space<vmem_shared>>
      tpu.wait_dma2 semaphore(%run_scoped3A_41 : memref<!tpu.dma_semaphore, #tpu.memory_space<semaphore_mem>>) src(%dma_wait3A_50 : memref<640x64xf32, #tpu.memory_space<vmem_shared>>) dst(%dma_wait3A_48 : memref<640x64xf32, #tpu.memory_space<hbm>>)
      tpu.yield
    }) : () -> ()
    return
  }
}

module attributes {stable_mosaic.version = 14 : i64} {
  func.func @_proj_body(%arg0: i32, %arg1: memref<2000x128xf32, #tpu.memory_space<vmem>>, %arg2: memref<128x128xf32, #tpu.memory_space<vmem>>, %arg3: memref<2000x64xf32, #tpu.memory_space<vmem>>, %arg4: memref<2000x64xf32, #tpu.memory_space<vmem>>) attributes {dimension_semantics = [#tpu.dimension_semantics<arbitrary>], iteration_bounds = array<i64: 5>, scalar_prefetch = 0 : i64, scratch_operands = 0 : i64, tpu.core_type = #tpu.core_type<tc>, window_params = [{transform_indices = @transform_0, window_bounds = array<i64: 2000, 128>}, {pipeline_mode = #tpu.pipeline_mode<synchronous>, transform_indices = @transform_1, window_bounds = array<i64: 128, 128>}, {transform_indices = @transform_2, window_bounds = array<i64: 2000, 64>}, {transform_indices = @transform_3, window_bounds = array<i64: 2000, 64>}]} {
    %get3A = arith.constant 0 : index
    %get3A_0 = arith.constant 0 : index
    %get3A_1 = vector.load %arg1[%get3A, %get3A_0] : memref<2000x128xf32, #tpu.memory_space<vmem>>, vector<2000x128xf32>
    %get3A_2 = arith.constant 0 : index
    %get3A_3 = arith.constant 0 : index
    %get3A_4 = vector.load %arg2[%get3A_2, %get3A_3] : memref<128x128xf32, #tpu.memory_space<vmem>>, vector<128x128xf32>
    %dot_general3A = arith.constant dense<0.000000e+00> : vector<2000x128xf32>
    %dot_general3A_5 = tpu.matmul %get3A_1, %get3A_4, %dot_general3A {dimension_numbers = #tpu.dot_dimension_numbers<[1], [0], [0], [1], [0, 0, 1, 1], [], []>, transpose_lhs_hint = false} : vector<2000x128xf32>, vector<128x128xf32>, vector<2000x128xf32> -> vector<2000x128xf32>
    %slice3A = vector.extract_strided_slice %dot_general3A_5 {offsets = [0, 0], sizes = [2000, 64], strides = [1, 1]} : vector<2000x128xf32> to vector<2000x64xf32>
    %swap3A = arith.constant 0 : index
    %swap3A_6 = arith.constant 0 : index
    %swap3A_7 = vector.load %arg3[%swap3A, %swap3A_6] : memref<2000x64xf32, #tpu.memory_space<vmem>>, vector<2000x64xf32>
    tpu.vector_store %arg3[%swap3A, %swap3A_6], %slice3A {strides = array<i32>} : memref<2000x64xf32, #tpu.memory_space<vmem>>, vector<2000x64xf32>,
    %slice3A_8 = vector.extract_strided_slice %dot_general3A_5 {offsets = [0, 64], sizes = [2000, 64], strides = [1, 1]} : vector<2000x128xf32> to vector<2000x64xf32>
    %swap3A_9 = arith.constant 0 : index
    %swap3A_10 = arith.constant 0 : index
    %swap3A_11 = vector.load %arg4[%swap3A_9, %swap3A_10] : memref<2000x64xf32, #tpu.memory_space<vmem>>, vector<2000x64xf32>
    tpu.vector_store %arg4[%swap3A_9, %swap3A_10], %slice3A_8 {strides = array<i32>} : memref<2000x64xf32, #tpu.memory_space<vmem>>, vector<2000x64xf32>,
    return
  }
  func.func @transform_0(%arg0: i32) -> (i32, i32) {
    %c0_i32 = arith.constant 0 : i32
    %c0_i32_0 = arith.constant 0 : i32
    return %arg0, %c0_i32 : i32, i32
  }
  func.func @transform_1(%arg0: i32) -> (i32, i32) {
    %c0_i32 = arith.constant 0 : i32
    %c0_i32_0 = arith.constant 0 : i32
    %c0_i32_1 = arith.constant 0 : i32
    return %c0_i32, %c0_i32_0 : i32, i32
  }
  func.func @transform_2(%arg0: i32) -> (i32, i32) {
    %c0_i32 = arith.constant 0 : i32
    %c0_i32_0 = arith.constant 0 : i32
    return %arg0, %c0_i32 : i32, i32
  }
  func.func @transform_3(%arg0: i32) -> (i32, i32) {
    %c0_i32 = arith.constant 0 : i32
    %c0_i32_0 = arith.constant 0 : i32
    return %arg0, %c0_i32 : i32, i32
  }
}

module attributes {stable_mosaic.version = 14 : i64} {
  func.func @_post1_body(%arg0: i32, %arg1: memref<2x2000x64xf32, #tpu.memory_space<vmem>>, %arg2: memref<2x2000x16xf32, #tpu.memory_space<vmem>>, %arg3: memref<2000x64xf32, #tpu.memory_space<vmem>>, %arg4: memref<1x64xf32, #tpu.memory_space<vmem>>, %arg5: memref<2000x64xf32, #tpu.memory_space<vmem>>) attributes {dimension_semantics = [#tpu.dimension_semantics<arbitrary>], iteration_bounds = array<i64: 5>, scalar_prefetch = 0 : i64, scratch_operands = 0 : i64, tpu.core_type = #tpu.core_type<tc>, window_params = [{transform_indices = @transform_0, window_bounds = array<i64: 2, 2000, 64>}, {transform_indices = @transform_1, window_bounds = array<i64: 2, 2000, 16>}, {transform_indices = @transform_2, window_bounds = array<i64: 2000, 64>}, {pipeline_mode = #tpu.pipeline_mode<synchronous>, transform_indices = @transform_3, window_bounds = array<i64: 1, 64>}, {transform_indices = @transform_4, window_bounds = array<i64: 2000, 64>}]} {
    %get3A = arith.constant 0 : index
    %get3A_0 = arith.constant 0 : index
    %get3A_1 = arith.constant 0 : index
    %get3A_2 = vector.load %arg1[%get3A, %get3A_0, %get3A_1] : memref<2x2000x64xf32, #tpu.memory_space<vmem>>, vector<1x2000x64xf32>
    %get3A_3 = vector.shape_cast %get3A_2 : vector<1x2000x64xf32> to vector<2000x64xf32>
    %get3A_4 = arith.constant 1 : index
    %get3A_5 = arith.constant 0 : index
    %get3A_6 = arith.constant 0 : index
    %get3A_7 = vector.load %arg1[%get3A_4, %get3A_5, %get3A_6] : memref<2x2000x64xf32, #tpu.memory_space<vmem>>, vector<1x2000x64xf32>
    %get3A_8 = vector.shape_cast %get3A_7 : vector<1x2000x64xf32> to vector<2000x64xf32>
    %add3A = arith.addf %get3A_3, %get3A_8 : vector<2000x64xf32>
    %get3A_9 = arith.constant 0 : index
    %get3A_10 = arith.constant 0 : index
    %get3A_11 = arith.constant 0 : index
    %get3A_12 = vector.load %arg2[%get3A_9, %get3A_10, %get3A_11] : memref<2x2000x16xf32, #tpu.memory_space<vmem>>, vector<1x2000x1xf32>
    %get3A_13 = vector.shape_cast %get3A_12 : vector<1x2000x1xf32> to vector<2000xf32>
    %get3A_14 = arith.constant 1 : index
    %get3A_15 = arith.constant 0 : index
    %get3A_16 = arith.constant 0 : index
    %get3A_17 = vector.load %arg2[%get3A_14, %get3A_15, %get3A_16] : memref<2x2000x16xf32, #tpu.memory_space<vmem>>, vector<1x2000x1xf32>
    %get3A_18 = vector.shape_cast %get3A_17 : vector<1x2000x1xf32> to vector<2000xf32>
    %add3A_19 = arith.addf %get3A_13, %get3A_18 : vector<2000xf32>
    %max3A = arith.constant 1.000000e+00 : f32
    %max3A_20 = vector.broadcast %max3A : f32 to vector<2000xf32>
    %max3A_21 = arith.maximumf %add3A_19, %max3A_20 : vector<2000xf32>
    %broadcast_in_dim3A = vector.shape_cast %max3A_21 : vector<2000xf32> to vector<2000x1xf32>
    %div3A = vector.broadcast %broadcast_in_dim3A : vector<2000x1xf32> to vector<2000x64xf32>
    %div3A_22 = arith.divf %add3A, %div3A : vector<2000x64xf32>
    %get3A_23 = arith.constant 0 : index
    %get3A_24 = arith.constant 0 : index
    %get3A_25 = vector.load %arg3[%get3A_23, %get3A_24] : memref<2000x64xf32, #tpu.memory_space<vmem>>, vector<2000x64xf32>
    %add3A_26 = arith.addf %div3A_22, %get3A_25 : vector<2000x64xf32>
    %get3A_27 = arith.constant 0 : index
    %get3A_28 = arith.constant 0 : index
    %get3A_29 = vector.load %arg4[%get3A_27, %get3A_28] : memref<1x64xf32, #tpu.memory_space<vmem>>, vector<1x64xf32>
    %add3A_30 = vector.broadcast %get3A_29 : vector<1x64xf32> to vector<2000x64xf32>
    %add3A_31 = arith.addf %add3A_26, %add3A_30 : vector<2000x64xf32>
    %max3A_32 = arith.constant 0.000000e+00 : f32
    %max3A_33 = vector.broadcast %max3A_32 : f32 to vector<2000x64xf32>
    %max3A_34 = arith.maximumf %add3A_31, %max3A_33 : vector<2000x64xf32>
    %swap3A = arith.constant 0 : index
    %swap3A_35 = arith.constant 0 : index
    %swap3A_36 = vector.load %arg5[%swap3A, %swap3A_35] : memref<2000x64xf32, #tpu.memory_space<vmem>>, vector<2000x64xf32>
    tpu.vector_store %arg5[%swap3A, %swap3A_35], %max3A_34 {strides = array<i32>} : memref<2000x64xf32, #tpu.memory_space<vmem>>, vector<2000x64xf32>,
    return
  }
  func.func @transform_0(%arg0: i32) -> (i32, i32, i32) {
    %c0_i32 = arith.constant 0 : i32
    %c0_i32_0 = arith.constant 0 : i32
    %c0_i32_1 = arith.constant 0 : i32
    return %c0_i32, %arg0, %c0_i32_0 : i32, i32, i32
  }
  func.func @transform_1(%arg0: i32) -> (i32, i32, i32) {
    %c0_i32 = arith.constant 0 : i32
    %c0_i32_0 = arith.constant 0 : i32
    %c0_i32_1 = arith.constant 0 : i32
    return %c0_i32, %arg0, %c0_i32_0 : i32, i32, i32
  }
  func.func @transform_2(%arg0: i32) -> (i32, i32) {
    %c0_i32 = arith.constant 0 : i32
    %c0_i32_0 = arith.constant 0 : i32
    return %arg0, %c0_i32 : i32, i32
  }
  func.func @transform_3(%arg0: i32) -> (i32, i32) {
    %c0_i32 = arith.constant 0 : i32
    %c0_i32_0 = arith.constant 0 : i32
    %c0_i32_1 = arith.constant 0 : i32
    return %c0_i32, %c0_i32_0 : i32, i32
  }
  func.func @transform_4(%arg0: i32) -> (i32, i32) {
    %c0_i32 = arith.constant 0 : i32
    %c0_i32_0 = arith.constant 0 : i32
    return %arg0, %c0_i32 : i32, i32
  }
}

module attributes {stable_mosaic.version = 14 : i64} {
  func.func @_post2_body(%arg0: i32, %arg1: memref<2x2000x64xf32, #tpu.memory_space<vmem>>, %arg2: memref<2x2000x16xf32, #tpu.memory_space<vmem>>, %arg3: memref<2000x64xf32, #tpu.memory_space<vmem>>, %arg4: memref<128x128xf32, #tpu.memory_space<vmem>>, %arg5: memref<1x128xf32, #tpu.memory_space<vmem>>, %arg6: memref<2000x128xf32, #tpu.memory_space<vmem>>) attributes {dimension_semantics = [#tpu.dimension_semantics<arbitrary>], iteration_bounds = array<i64: 5>, scalar_prefetch = 0 : i64, scratch_operands = 0 : i64, tpu.core_type = #tpu.core_type<tc>, window_params = [{transform_indices = @transform_0, window_bounds = array<i64: 2, 2000, 64>}, {transform_indices = @transform_1, window_bounds = array<i64: 2, 2000, 16>}, {transform_indices = @transform_2, window_bounds = array<i64: 2000, 64>}, {pipeline_mode = #tpu.pipeline_mode<synchronous>, transform_indices = @transform_3, window_bounds = array<i64: 128, 128>}, {pipeline_mode = #tpu.pipeline_mode<synchronous>, transform_indices = @transform_4, window_bounds = array<i64: 1, 128>}, {transform_indices = @transform_5, window_bounds = array<i64: 2000, 128>}]} {
    %get3A = arith.constant 0 : index
    %get3A_0 = arith.constant 0 : index
    %get3A_1 = arith.constant 0 : index
    %get3A_2 = vector.load %arg1[%get3A, %get3A_0, %get3A_1] : memref<2x2000x64xf32, #tpu.memory_space<vmem>>, vector<1x2000x64xf32>
    %get3A_3 = vector.shape_cast %get3A_2 : vector<1x2000x64xf32> to vector<2000x64xf32>
    %get3A_4 = arith.constant 1 : index
    %get3A_5 = arith.constant 0 : index
    %get3A_6 = arith.constant 0 : index
    %get3A_7 = vector.load %arg1[%get3A_4, %get3A_5, %get3A_6] : memref<2x2000x64xf32, #tpu.memory_space<vmem>>, vector<1x2000x64xf32>
    %get3A_8 = vector.shape_cast %get3A_7 : vector<1x2000x64xf32> to vector<2000x64xf32>
    %add3A = arith.addf %get3A_3, %get3A_8 : vector<2000x64xf32>
    %get3A_9 = arith.constant 0 : index
    %get3A_10 = arith.constant 0 : index
    %get3A_11 = arith.constant 0 : index
    %get3A_12 = vector.load %arg2[%get3A_9, %get3A_10, %get3A_11] : memref<2x2000x16xf32, #tpu.memory_space<vmem>>, vector<1x2000x1xf32>
    %get3A_13 = vector.shape_cast %get3A_12 : vector<1x2000x1xf32> to vector<2000xf32>
    %get3A_14 = arith.constant 1 : index
    %get3A_15 = arith.constant 0 : index
    %get3A_16 = arith.constant 0 : index
    %get3A_17 = vector.load %arg2[%get3A_14, %get3A_15, %get3A_16] : memref<2x2000x16xf32, #tpu.memory_space<vmem>>, vector<1x2000x1xf32>
    %get3A_18 = vector.shape_cast %get3A_17 : vector<1x2000x1xf32> to vector<2000xf32>
    %add3A_19 = arith.addf %get3A_13, %get3A_18 : vector<2000xf32>
    %max3A = arith.constant 1.000000e+00 : f32
    %max3A_20 = vector.broadcast %max3A : f32 to vector<2000xf32>
    %max3A_21 = arith.maximumf %add3A_19, %max3A_20 : vector<2000xf32>
    %broadcast_in_dim3A = vector.shape_cast %max3A_21 : vector<2000xf32> to vector<2000x1xf32>
    %div3A = vector.broadcast %broadcast_in_dim3A : vector<2000x1xf32> to vector<2000x64xf32>
    %div3A_22 = arith.divf %add3A, %div3A : vector<2000x64xf32>
    %get3A_23 = arith.constant 0 : index
    %get3A_24 = arith.constant 0 : index
    %get3A_25 = vector.load %arg3[%get3A_23, %get3A_24] : memref<2000x64xf32, #tpu.memory_space<vmem>>, vector<2000x64xf32>
    %concatenate3A = tpu.concatenate %div3A_22, %get3A_25 in 1 : vector<2000x64xf32>, vector<2000x64xf32> -> vector<2000x128xf32>
    %get3A_26 = arith.constant 0 : index
    %get3A_27 = arith.constant 0 : index
    %get3A_28 = vector.load %arg4[%get3A_26, %get3A_27] : memref<128x128xf32, #tpu.memory_space<vmem>>, vector<128x128xf32>
    %dot_general3A = arith.constant dense<0.000000e+00> : vector<2000x128xf32>
    %dot_general3A_29 = tpu.matmul %concatenate3A, %get3A_28, %dot_general3A {dimension_numbers = #tpu.dot_dimension_numbers<[1], [0], [0], [1], [0, 0, 1, 1], [], []>, transpose_lhs_hint = false} : vector<2000x128xf32>, vector<128x128xf32>, vector<2000x128xf32> -> vector<2000x128xf32>
    %get3A_30 = arith.constant 0 : index
    %get3A_31 = arith.constant 0 : index
    %get3A_32 = vector.load %arg5[%get3A_30, %get3A_31] : memref<1x128xf32, #tpu.memory_space<vmem>>, vector<1x128xf32>
    %add3A_33 = vector.broadcast %get3A_32 : vector<1x128xf32> to vector<2000x128xf32>
    %add3A_34 = arith.addf %dot_general3A_29, %add3A_33 : vector<2000x128xf32>
    %reduce_max3A = arith.constant dense<0xFF800000> : vector<2000xf32>
    %reduce_max3A_35 = vector.multi_reduction <maximumf>, %add3A_34, %reduce_max3A [1] : vector<2000x128xf32> to vector<2000xf32>
    %broadcast_in_dim3A_36 = vector.shape_cast %reduce_max3A_35 : vector<2000xf32> to vector<2000x1xf32>
    %sub3A = vector.broadcast %broadcast_in_dim3A_36 : vector<2000x1xf32> to vector<2000x128xf32>
    %sub3A_37 = arith.subf %add3A_34, %sub3A : vector<2000x128xf32>
    %exp3A = math.exp %sub3A_37 : vector<2000x128xf32>
    %reduce_sum3A = arith.constant dense<0.000000e+00> : vector<2000xf32>
    %reduce_sum3A_38 = vector.multi_reduction <add>, %exp3A, %reduce_sum3A [1] : vector<2000x128xf32> to vector<2000xf32>
    %broadcast_in_dim3A_39 = vector.shape_cast %reduce_sum3A_38 : vector<2000xf32> to vector<2000x1xf32>
    %log3A = math.log %broadcast_in_dim3A_39 : vector<2000x1xf32>
    %sub3A_40 = vector.broadcast %broadcast_in_dim3A_36 : vector<2000x1xf32> to vector<2000x128xf32>
    %sub3A_41 = arith.subf %add3A_34, %sub3A_40 : vector<2000x128xf32>
    %sub3A_42 = vector.broadcast %log3A : vector<2000x1xf32> to vector<2000x128xf32>
    %sub3A_43 = arith.subf %sub3A_41, %sub3A_42 : vector<2000x128xf32>
    %swap3A = arith.constant 0 : index
    %swap3A_44 = arith.constant 0 : index
    %swap3A_45 = vector.load %arg6[%swap3A, %swap3A_44] : memref<2000x128xf32, #tpu.memory_space<vmem>>, vector<2000x128xf32>
    tpu.vector_store %arg6[%swap3A, %swap3A_44], %sub3A_43 {strides = array<i32>} : memref<2000x128xf32, #tpu.memory_space<vmem>>, vector<2000x128xf32>,
    return
  }
  func.func @transform_0(%arg0: i32) -> (i32, i32, i32) {
    %c0_i32 = arith.constant 0 : i32
    %c0_i32_0 = arith.constant 0 : i32
    %c0_i32_1 = arith.constant 0 : i32
    return %c0_i32, %arg0, %c0_i32_0 : i32, i32, i32
  }
  func.func @transform_1(%arg0: i32) -> (i32, i32, i32) {
    %c0_i32 = arith.constant 0 : i32
    %c0_i32_0 = arith.constant 0 : i32
    %c0_i32_1 = arith.constant 0 : i32
    return %c0_i32, %arg0, %c0_i32_0 : i32, i32, i32
  }
  func.func @transform_2(%arg0: i32) -> (i32, i32) {
    %c0_i32 = arith.constant 0 : i32
    %c0_i32_0 = arith.constant 0 : i32
    return %arg0, %c0_i32 : i32, i32
  }
  func.func @transform_3(%arg0: i32) -> (i32, i32) {
    %c0_i32 = arith.constant 0 : i32
    %c0_i32_0 = arith.constant 0 : i32
    %c0_i32_1 = arith.constant 0 : i32
    return %c0_i32, %c0_i32_0 : i32, i32
  }
  func.func @transform_4(%arg0: i32) -> (i32, i32) {
    %c0_i32 = arith.constant 0 : i32
    %c0_i32_0 = arith.constant 0 : i32
    %c0_i32_1 = arith.constant 0 : i32
    return %c0_i32, %c0_i32_0 : i32, i32
  }
  func.func @transform_5(%arg0: i32) -> (i32, i32) {
    %c0_i32 = arith.constant 0 : i32
    %c0_i32_0 = arith.constant 0 : i32
    return %arg0, %c0_i32 : i32, i32
  }
}

</mosaic_0001>

<sc_bundles>
// kernel: kernel.10.cloned.1.call-start
scs
__scs_entry_jumppad:
0x0: {  	(pc) =	sbr.rel $0x88, $3  }
0x1: {  	(tag) =	ssettag $0x0;
	lr =	simm.s32 $0x1  }
0x2: {  	[smem:$0x3F99] =	sst lr;
	_ =	strace $0xD0000000  }
0x3: {  	_ = 	snop  }
0x4: {  	_ = 	snop  }
0x5: {  	_ = 	snop  }
0x6: {  	_ = 	snop  }
0x7: {  	_ = 	snop  }
__scs_overlays_trampoline_lowered:
0x8: {  	[smem:$0x3FA8] =	sst s0  }
0x9: {  	[smem:$0x3FA9] =	sst s1  }
0xa: {  	[smem:$0x3FAA] =	sst s2  }
0xb: {  	[smem:$0x3FAB] =	sst s3  }
0xc: {  	[smem:$0x3FAC] =	sst s4  }
0xd: {  	[smem:$0x3FAD] =	sst s5  }
0xe: {  	[smem:$0x3FAE] =	sst s6  }
0xf: {  	[smem:$0x3FAF] =	sst s7  }
0x10: {  	[smem:$0x3FB0] =	sst s8  }
0x11: {  	[smem:$0x3FB1] =	sst s9;
	s0 =	simm.s32 @!p0 $0x0  }
0x12: {  	s1 =	sld [smem:$0x3F97];
	s0 =	simm.s32 @p0 $0x1  }
0x13: {  	[smem:$0x3FB2] =	sst s0;
	s0 =	simm.s32 @!p1 $0x0  }
0x14: {  	s2 =	sld [smem:$0x3F96];
	s0 =	simm.s32 @p1 $0x1  }
0x15: {  	[smem:$0x3FB3] =	sst s0;
	s0 =	simm.s32 @!p2 $0x0  }
0x16: {  	s3 =	sld [smem:$0x3FDB];
	s0 =	simm.s32 @p2 $0x1  }
0x17: {  	s4 =	simm.s32 $0x1BF5;
	[smem:$0x3FB5] =	sst s0  }
0x18: {  	s0 =	sld [smem:$0x3F98];
	_ =	swait.ge [sflag:s4], $0x0  }
0x19: {  	s7 =	sld [smem:$0x3F99]  }
0x1a: {  	s8 =	sadd.s32 $0xFFFFE003, lr  }
0x1b: {  	s9 =	sadd.s32 $0xFFFFFEF7, lr;
	s5 =	simm.s32 $0xFFFFFFFF;
	p2 =	slt.u32 s8, $0xFFFFF086  }
0x1c: {  	p1 =	slt.u32 s9, $0xF7A;
	s5 =	simm.s32 @!p2 $0x0  }
0x1d: {  	s5 =	simm.s32 @p1 $0x1;
	p0 =	seq.s32 s7, s2  }
0x1e: {  	s7 =	smul.u32 @!p0 $0xF7A, s2;
	p2 =	seq.s32 @!p0 s5, $0x0  }
0x1f: {  	s9 =	smul.u32 $0xF7A, s1;
	s8 =	simm.s32 @!p0 $0x1BF5;
	p2 =	por !p2, p0  }
0x20: {  	[sflag:s8] =	ssyncset.s32 @!p0 $0xFFFFF086;
	s6 =	sadd.s32 @!p0 s3, s7;
	s7 =	simm.s32 @!p0 $0x108  }
0x21: {  	s3 =	sadd.s32 s3, s9;
	s6 =	sadd.s32 @!p0 $0x88, s6;
	s7 =	simm.s32 @p2 $0x1082  }
0x22: {  	[simem:s7], [sflag:s8] =	dma.local @!p0 [hbm:s6], $0xF7A  }
0x23: {  	s9 =	sor.u32 $0xD0000000, s2;
	s6 =	simm.s32 $0x108;
	_ =	swait.ge @!p0 [sflag:s8], $0x0  }
0x24: {  	s3 =	sadd.s32 $0x88, s3;
	s6 =	simm.s32 @!p1 $0x1082;
	[sflag:s4] =	ssyncset.s32 $0xFFFFF086  }
0x25: {  	[simem:s6], [sflag:s4] =	dma.local [hbm:s3], $0xF7A  }
0x26: {  	[smem:$0x3F99] =	sst s1;
	(tag) =	ssettag s2;
	_ =	strace s9  }
0x27: {  	s1 =	sld [smem:$0x3FA9]  }
0x28: {  	s2 =	sld [smem:$0x3FAA]  }
0x29: {  	s4 =	sld [smem:$0x3FAC]  }
0x2a: {  	p0 =	seq.s32 s5, $0x0;
	s5 =	sld [smem:$0x3FAD]  }
0x2b: {  	s6 =	sld [smem:$0x3FAE]  }
0x2c: {  	s7 =	sld [smem:$0x3FAF]  }
0x2d: {  	s3 =	simm.s32 $0x108;
	s8 =	sld [smem:$0x3FB0]  }
0x2e: {  	s3 =	simm.s32 @!p0 $0x1082;
	s9 =	sld [smem:$0x3FB1]  }
0x2f: {  	lr =	sadd.s32 s0, s3;
	s0 =	sld [smem:$0x3FA8]  }
0x30: {  	s3 =	sld [smem:$0x3FAB]  }
0x31: {  	[smem:$0x3FB4] =	sst s10  }
0x32: {  	s10 =	sld [smem:$0x3FB2];
	_ =	sdelay $0x3  }
0x33: {  	p0 =	seq.s32 s10, $0x1;
	s10 =	sld [smem:$0x3FB4];
	_ =	sdelay $0x3  }
0x34: {  	[smem:$0x3FB4] =	sst s10  }
0x35: {  	s10 =	sld [smem:$0x3FB3];
	_ =	sdelay $0x3  }
0x36: {  	p1 =	seq.s32 s10, $0x1;
	s10 =	sld [smem:$0x3FB4];
	_ =	sdelay $0x3  }
0x37: {  	[smem:$0x3FB4] =	sst s10  }
0x38: {  	s10 =	sld [smem:$0x3FB5]  }
0x39: {  	_ = 	snop;
	(pc) =	sbr.ind lr, $3  }
0x3a: {  	_ = 	snop  }
0x3b: {  	_ = 	snop  }
0x3c: {  	p2 =	seq.s32 s10, $0x1;
	s10 =	sld [smem:$0x3FB4]  }
0x3d: {  	_ =	shalt  }
0x3e: {  	_ =	shalt  }
0x3f: {  	_ =	shalt  }
0x40: {  	_ =	shalt  }
0x41: {  	_ =	shalt  }
0x42: {  	_ =	shalt  }
0x43: {  	_ =	shalt  }
0x44: {  	_ =	shalt  }
0x45: {  	_ =	shalt  }
0x46: {  	_ =	shalt  }
0x47: {  	_ =	shalt  }
0x48: {  	_ =	shalt  }
0x49: {  	_ =	shalt  }
0x4a: {  	_ =	shalt  }
0x4b: {  	_ =	shalt  }
0x4c: {  	_ =	shalt  }
0x4d: {  	_ =	shalt  }
0x4e: {  	_ =	shalt  }
0x4f: {  	_ =	shalt  }
0x50: {  	_ =	shalt  }
0x51: {  	_ =	shalt  }
0x52: {  	_ =	shalt  }
0x53: {  	_ =	shalt  }
0x54: {  	_ =	shalt  }
0x55: {  	_ =	shalt  }
0x56: {  	_ =	shalt  }
0x57: {  	_ =	shalt  }
0x58: {  	_ =	shalt  }
0x59: {  	_ =	shalt  }
0x5a: {  	_ =	shalt  }
0x5b: {  	_ =	shalt  }
0x5c: {  	_ =	shalt  }
0x5d: {  	_ =	shalt  }
0x5e: {  	_ =	shalt  }
0x5f: {  	_ =	shalt  }
0x60: {  	_ =	shalt  }
0x61: {  	_ =	shalt  }
0x62: {  	_ =	shalt  }
0x63: {  	_ =	shalt  }
0x64: {  	_ =	shalt  }
0x65: {  	_ =	shalt  }
0x66: {  	_ =	shalt  }
0x67: {  	_ =	shalt  }
0x68: {  	_ =	shalt  }
0x69: {  	_ =	shalt  }
0x6a: {  	_ =	shalt  }
0x6b: {  	_ =	shalt  }
0x6c: {  	_ =	shalt  }
0x6d: {  	_ =	shalt  }
0x6e: {  	_ =	shalt  }
0x6f: {  	_ =	shalt  }
0x70: {  	_ =	shalt  }
0x71: {  	_ =	shalt  }
0x72: {  	_ =	shalt  }
0x73: {  	_ =	shalt  }
0x74: {  	_ =	shalt  }
0x75: {  	_ =	shalt  }
0x76: {  	_ =	shalt  }
0x77: {  	_ =	shalt  }
0x78: {  	_ =	shalt  }
0x79: {  	_ =	shalt  }
0x7a: {  	_ =	shalt  }
0x7b: {  	_ =	shalt  }
0x7c: {  	_ =	shalt  }
0x7d: {  	_ =	shalt  }
0x7e: {  	_ =	shalt  }
0x7f: {  	_ =	shalt  }
0x80: {  	_ =	shalt  }
0x81: {  	_ =	shalt  }
0x82: {  	_ =	shalt  }
0x83: {  	_ =	shalt  }
0x84: {  	_ =	shalt  }
0x85: {  	_ =	shalt  }
0x86: {  	_ =	shalt  }
0x87: {  	_ =	shalt  }
.Lfunc_end0:
.L_simem_size_0:
called_computation.1_lowered:
.L_overlay_start_0:
0x88: {  	s2 =	sld [smem:$0x3FD9]  }
0x89: {  	s3 =	sld [smem:$0x3FFE];
	_ =	sdelay $0x1  }
0x8a: {  	s1 =	srdreg.scid  }
0x8b: {  	s0 =	sand.u32 $0x1, s1  }
0x8c: {  	s17 =	sshll.u32 s0, $0xA;
	s2 =	sadd.s32 s3, s2  }
0x8d: {  	s2 =	sadd.s32 s2, s17  }
0x8e: {  	[smem:$0x3FC0] =	sst s2  }
0x8f: {  	_ = 	snop  }
0x90: {  	s2 =	sld [smem:$0x3FD0];
	(tm) =	ssettm $0x1  }
0x91: {  	s18 =	sld [smem:$0x3FFB];
	_ =	sdelay $0x3  }
0x92: {  	_ =	strace s18  }
0x93: {  	s3 =	sld [smem:$0x3FFC];
	_ =	sdelay $0x3  }
0x94: {  	_ =	strace s3  }
0x95: {  	s3 =	sld [smem:$0x3FFD];
	_ =	sdelay $0x3  }
0x96: {  	_ =	strace s3  }
0x97: {  	_ =	strace $0x8FFFFFFF  }
0x98: {  	s19 =	sld [smem:$0x3FDB];
	_ =	sdelay $0x1  }
0x99: {  	s4 =	simm.s32 $_scs_section_size  }
0x9a: {  	s5 =	simm.s32 $_size__tile_overlayer_lowered;
	s6 =	simm.s32 $_tile_overlayer_lowered  }
0x9b: {  	s22 =	simm.s32 $0x1BFF;
	s21 =	sshll.u32 s6, $0x1;
	s3 =	sadd.s32 s4, s19  }
0x9c: {  	s7 =	simm.s32 $0x0;
	s20 =	sshll.u32 s5, $0x1;
	s5 =	sadd.s32 s21, s3  }
0x9d: {  	[timem:s7], [sflag:s22] =	dma.local [hbm:s5], s20  }
0x9e: {  	_ =	swait.ge [sflag:s22], s20  }
0x9f: {  	s4 =	ssub.s32 $0x0, s20;
	[sflag:s22] =	ssyncset.done $0x0  }
0xa0: {  	[sflag:s22] =	ssyncadd.s32 s4;
	_ =	sdelay $0x1  }
0xa1: {  	s23 =	simm.s32 $0x1B8B  }
0xa2: {  	_ =	swait.ge [sflag:s23], $0x1  }
0xa3: {  	[sflag:s23] =	ssyncset.done $0x0  }
0xa4: {  	s25 =	simm.s32 $0x1B8E;
	s24 =	sld [smem:$0x3FFE];
	[sflag:s23] =	ssyncadd.s32 $0xFFFFFFFF  }
0xa5: {  	s26 =	simm.s32 $execute0_lowered;
	[smem:$0x3FD2] =	sst s25  }
0xa6: {  	s5 =	sshll.u32 s26, $0x1;
	_ =	strace $0x80000049;
	[dreg:$0x1] =	wrdreg $0xFFFFFFFF  }
0xa7: {  	s28 =	simm.s32 $_size_execute0_lowered;
	s3 =	sadd.s32 s3, s5;
	[dreg:$0x0] =	wrdreg $0x0  }
0xa8: {  	s5 =	sshll.u32 s28, $0x1;
	[dreg:$0x2] =	wrdreg s3  }
0xa9: {  	[dreg:$0x3] =	wrdreg s5  }
0xaa: {  	[dreg:$0x4] =	wrdreg $0xC0  }
0xab: {  	_ =	task [dreg:s7], $0x5FFFF  }
0xac: {  	[dreg:$0x1] =	wrdreg $0xFFFFFFFF  }
0xad: {  	[dreg:$0x0] =	wrdreg $0x60  }
0xae: {  	[dreg:$0x2] =	wrdreg s24  }
0xaf: {  	[dreg:$0x3] =	wrdreg s2  }
0xb0: {  	[dreg:$0x4] =	wrdreg $0xCD000  }
0xb1: {  	[dreg:$0x5] =	wrdreg $0x9  }
0xb2: {  	_ =	task.clear_ibuf [dreg:s7], $0x6FFFF;
	_ =	strace $0x90000049  }
0xb3: {  	s29 =	simm.s32 $0x9;
	_ =	strace $0x8000004B  }
0xb4: {  	_ =	swait.ge [sflag:s29], $0x1  }
0xb5: {  	[sflag:s29] =	ssyncadd.s32 $0xFFFFFFFF  }
0xb6: {  	_ =	strace $0x9000004B  }
0xb7: {  	_ =	sfence  }
0xb8: {  	s30 =	sld [smem:$0x0];
	_ =	sdelay $0x2  }
0xb9: {  	s31 =	sshll.u32 s1, $0xD;
	s1 =	sshrl.u32 s1, $0x2  }
0xba: {  	s3 =	sand.u32 $0x4000, s31;
	s1 =	sadd.s32 s1, s30  }
0xbb: {  	s0 =	sor.u32 s3, s0;
	s1 =	sshll.u32 s1, $0x11  }
0xbc: {  	s0 =	sor.u32 s1, s0  }
0xbd: {  	s0 =	sadd.s32 $0x8F2B, s0  }
0xbe: {  	[sflag:s0] =	ssyncadd.remote.s32 $0x1  }
0xbf: {  	_ =	sfence.sel $0xFFFF  }
0xc0: {  	[dreg:$0x0] =	wrdreg $0xFFFFFFFF;
	(pc) =	sbr.abs _section_cstart, $3  }
0xc1: {  	[dreg:$0x1] =	wrdreg $0xFFFFFFFF  }
0xc2: {  	_ =	task.clear_ibuf [dreg:s7], $0x2FFFF;
	_ =	strace $0x9FFFFFFF  }
0xc3: {  	(tm) =	ssettm $0x7FFFFFFF  }
tec
execute0_lowered:
.L_overlay_start_1:
0x0: {  	(tag) =	ssettag $0x1  }
0x1: {  	s0 =	rddreg [dreg:$0x0]  }
0x2: {  	s1 =	rddreg [dreg:$0x1]  }
0x3: {  	s2 =	rddreg [dreg:$0x2];
	s3 =	simm.s32 $0x0  }
0x4: {  	s4 =	srdreg.scid;
	s11 =	stileid.u32;
	s14 =	simm.s32 $0x7D  }
0x5: {  	s15 =	simm.s32 $0x5000;
	s16 =	simm.s32 $0x80;
	s17 =	simm.s32 $0x6F40  }
0x6: {  	s18 =	simm.s32 $0x100;
	s19 =	simm.s32 $0x8E80;
	s20 =	simm.s32 $0x180  }
0x7: {  	s21 =	simm.s32 $0xADC0;
	s28 =	simm.s32 $0x4E80;
	s29 =	simm.s32 $0x4F00  }
0x8: {  	s30 =	simm.s32 $0x4F80;
	s31 =	simm.s32 $0x0;
	s6 =	sand.u32 $0x1, s4  }
0x9: {  	s8 =	smul.u32 $0xA000, s11;
	s22 =	sshll.u32 s11, $0x1;
	[smem:$0x7FF] =	sst s3  }
0xa: {  	s5 =	sadd.s32 $0x15600, s0;
	s26 =	sshll.u32 s11, $0x6;
	s7 =	smul.u32 $0xA0000, s6  }
0xb: {  	s4 =	sor.u32 s6, s22;
	_ =	strace $0x8000004A;
	s10 =	ssub.s32 $0x2, s6  }
0xc: {  	s12 =	sor.u32 $0x1C05, s26;
	s22 =	simm.s32 $0x1;
	s26 =	simm.s32 $0x4E00  }
0xd: {  	s9 =	smul.u32 $0x2800, s4;
	s4 =	sadd.s32 $0x1C00, s0;
	s24 =	sshrl.u32 s10, $0x1  }
0xe: {  	s13 =	sadd.s32 s8, s2;
	s7 =	sadd.s32 s8, s7;
	s25 =	ssub.s32 s10, s24  }
0xf: {  	s10 =	simm.s32 $0x5;
	s13 =	sshrl.u32 s13, $0x3;
	s24 =	simm.s32 $0x3  }
0x10: {  	s7 =	sshrl.u32 s7, $0x3;
	s23 =	sshrl.u32 s9, $0x3;
	s9 =	smax.u32 s25, $0x1  }
0x11: {  	s25 =	simm.s32 $0x4;
	s0 =	sadd.s32 s7, s0;
	s6 =	sadd.s32 s1, s23  }
0x12: {  	s23 =	simm.s32 $0x2;
	s7 =	sadd.s32 $0xA000, s6;
	s8 =	sadd.s32 $0x66A00, s0  }
.LBB2_1:
0x13: {  	[tilespmem:s3], [sflag:$0x5] =	stream.linear.gather [hbm4b:s6+s3], $0x2800, $0x38;
	[tilespmem:$0x16D00] =	vst v63  }
0x14: {  	_ =	swait.ge [sflag:s10], $0x2800  }
0x15: {  	[sflag:s10] =	ssyncset.done $0x0  }
0x16: {  	s0 =	simm.s32 $0x2800;
	[sflag:s10] =	ssyncadd.s32 $0xFFFFD800  }
0x17: {  	[tilespmem:s0], [sflag:$0x5] =	stream.linear.gather [hbm4b:s7+s3], $0x2800, $0x38;
	[tilespmem:$0x16D00] =	vst v63  }
0x18: {  	_ =	swait.ge [sflag:s10], $0x2800  }
0x19: {  	[sflag:s10] =	ssyncset.done $0x0  }
0x1a: {  	[sflag:s10] =	ssyncadd.s32 $0xFFFFD800  }
0x1b: {  	[spmem:s13], [sflag:s12] =	dma.local [hbm:s5], $0x1400  }
0x1c: {  	_ =	swait.ge [sflag:s10], $0x1400  }
0x1d: {  	[sflag:s10] =	ssyncset.done $0x0  }
0x1e: {  	[sflag:s10] =	ssyncadd.s32 $0xFFFFEC00  }
0x1f: {  	[bflag:$0x0] =	sbarrier.arrive $0xFFFF  }
0x20: {  	[tilespmem:s15], [sflag:$0x1] =	stream.indirect.gather [hbm4b:s4+s14], $0x40, s3, s14, $0xb8;
	[tilespmem:$0x16D00] =	vst v63  }
0x21: {  	_ = 	snop  }
0x22: {  	[tilespmem:s17], [sflag:$0x2] =	stream.indirect.gather [hbm4b:s4+s14], $0x40, s16, s14, $0xb8;
	[tilespmem:$0x16D00] =	vst v63  }
0x23: {  	_ = 	snop  }
0x24: {  	[tilespmem:s19], [sflag:$0x3] =	stream.indirect.gather [hbm4b:s4+s14], $0x40, s18, s14, $0xb8;
	[tilespmem:$0x16D00] =	vst v63  }
0x25: {  	_ = 	snop  }
0x26: {  	[tilespmem:s21], [sflag:$0x4] =	stream.indirect.gather [hbm4b:s4+s14], $0x40, s20, s14, $0xb8;
	[tilespmem:$0x16D00] =	vst v63  }
0x27: {  	_ =	swait.ge [sflag:s22], $0x1F40  }
0x28: {  	[sflag:s22] =	ssyncset.done $0x0  }
0x29: {  	s11 =	simm.s32 $0x2800;
	[sflag:s22] =	ssyncadd.s32 $0xFFFFE0C0  }
0x2a: {  	[spmem:s2] =	stream.indirect.scatter.add.f32 [tilespmem:s15], [sflag:$0x5], $0x40, s11, s14, $0xb8;
	[tilespmem:$0x16D00] =	vst v63  }
0x2b: {  	_ =	swait.ge [sflag:s10], $0x1F40  }
0x2c: {  	[sflag:s10] =	ssyncset.done $0x0  }
0x2d: {  	s1 =	simm.s32 $0x200;
	[sflag:s10] =	ssyncadd.s32 $0xFFFFE0C0  }
0x2e: {  	[tilespmem:s15], [sflag:$0x1] =	stream.indirect.gather [hbm4b:s4+s14], $0x40, s1, s14, $0xb8;
	[tilespmem:$0x16D00] =	vst v63  }
0x2f: {  	_ =	swait.ge [sflag:s23], $0x1F40  }
0x30: {  	[sflag:s23] =	ssyncset.done $0x0  }
0x31: {  	s11 =	simm.s32 $0x2880;
	[sflag:s23] =	ssyncadd.s32 $0xFFFFE0C0  }
0x32: {  	[spmem:s2] =	stream.indirect.scatter.add.f32 [tilespmem:s17], [sflag:$0x5], $0x40, s11, s14, $0xb8;
	[tilespmem:$0x16D00] =	vst v63  }
0x33: {  	_ =	swait.ge [sflag:s10], $0x1F40  }
0x34: {  	[sflag:s10] =	ssyncset.done $0x0  }
0x35: {  	s1 =	simm.s32 $0x280;
	[sflag:s10] =	ssyncadd.s32 $0xFFFFE0C0  }
0x36: {  	[tilespmem:s17], [sflag:$0x2] =	stream.indirect.gather [hbm4b:s4+s14], $0x40, s1, s14, $0xb8;
	[tilespmem:$0x16D00] =	vst v63  }
0x37: {  	_ =	swait.ge [sflag:s24], $0x1F40  }
0x38: {  	[sflag:s24] =	ssyncset.done $0x0  }
0x39: {  	s11 =	simm.s32 $0x2900;
	[sflag:s24] =	ssyncadd.s32 $0xFFFFE0C0  }
0x3a: {  	[spmem:s2] =	stream.indirect.scatter.add.f32 [tilespmem:s19], [sflag:$0x5], $0x40, s11, s14, $0xb8;
	[tilespmem:$0x16D00] =	vst v63  }
0x3b: {  	_ =	swait.ge [sflag:s10], $0x1F40  }
0x3c: {  	[sflag:s10] =	ssyncset.done $0x0  }
0x3d: {  	s1 =	simm.s32 $0x300;
	[sflag:s10] =	ssyncadd.s32 $0xFFFFE0C0  }
0x3e: {  	[tilespmem:s19], [sflag:$0x3] =	stream.indirect.gather [hbm4b:s4+s14], $0x40, s1, s14, $0xb8;
	[tilespmem:$0x16D00] =	vst v63  }
0x3f: {  	_ =	swait.ge [sflag:s25], $0x1F40  }
0x40: {  	[sflag:s25] =	ssyncset.done $0x0  }
0x41: {  	s11 =	simm.s32 $0x2980;
	[sflag:s25] =	ssyncadd.s32 $0xFFFFE0C0  }
0x42: {  	[spmem:s2] =	stream.indirect.scatter.add.f32 [tilespmem:s21], [sflag:$0x5], $0x40, s11, s14, $0xb8;
	[tilespmem:$0x16D00] =	vst v63  }
0x43: {  	_ =	swait.ge [sflag:s10], $0x1F40  }
0x44: {  	[sflag:s10] =	ssyncset.done $0x0  }
0x45: {  	s0 =	simm.s32 $0x800;
	s1 =	simm.s32 $0x380;
	[sflag:s10] =	ssyncadd.s32 $0xFFFFE0C0  }
.LBB2_2:
0x46: {  	[tilespmem:s21], [sflag:$0x4] =	stream.indirect.gather [hbm4b:s4+s14], $0x40, s1, s14, $0xb8;
	[tilespmem:$0x16D00] =	vst v63  }
0x47: {  	s1 =	smov.u32 s0  }
0x48: {  	p0 =	sne.s32 s0, $0x9000;
	s0 =	sadd.s32 $0x800, s0;
	_ =	swait.ge [sflag:s22], $0x1F40  }
0x49: {  	s1 =	sshra.s32 s1, $0x2;
	[sflag:s22] =	ssyncset.done $0x0  }
0x4a: {  	s11 =	sadd.s32 $0x2800, s1;
	[sflag:s22] =	ssyncadd.s32 $0xFFFFE0C0  }
0x4b: {  	[spmem:s2] =	stream.indirect.scatter.add.f32 [tilespmem:s15], [sflag:$0x5], $0x40, s11, s14, $0xb8;
	[tilespmem:$0x16D00] =	vst v63  }
0x4c: {  	_ =	swait.ge [sflag:s10], $0x1F40  }
0x4d: {  	[sflag:s10] =	ssyncset.done $0x0  }
0x4e: {  	s11 =	sadd.s32 $0x200, s1;
	[sflag:s10] =	ssyncadd.s32 $0xFFFFE0C0  }
0x4f: {  	[tilespmem:s15], [sflag:$0x1] =	stream.indirect.gather [hbm4b:s4+s14], $0x40, s11, s14, $0xb8;
	[tilespmem:$0x16D00] =	vst v63  }
0x50: {  	_ =	swait.ge [sflag:s23], $0x1F40  }
0x51: {  	[sflag:s23] =	ssyncset.done $0x0  }
0x52: {  	s11 =	sadd.s32 $0x2880, s1;
	[sflag:s23] =	ssyncadd.s32 $0xFFFFE0C0  }
0x53: {  	[spmem:s2] =	stream.indirect.scatter.add.f32 [tilespmem:s17], [sflag:$0x5], $0x40, s11, s14, $0xb8;
	[tilespmem:$0x16D00] =	vst v63  }
0x54: {  	_ =	swait.ge [sflag:s10], $0x1F40  }
0x55: {  	[sflag:s10] =	ssyncset.done $0x0  }
0x56: {  	s11 =	sadd.s32 $0x280, s1;
	[sflag:s10] =	ssyncadd.s32 $0xFFFFE0C0  }
0x57: {  	[tilespmem:s17], [sflag:$0x2] =	stream.indirect.gather [hbm4b:s4+s14], $0x40, s11, s14, $0xb8;
	[tilespmem:$0x16D00] =	vst v63  }
0x58: {  	_ =	swait.ge [sflag:s24], $0x1F40  }
0x59: {  	[sflag:s24] =	ssyncset.done $0x0  }
0x5a: {  	s11 =	sadd.s32 $0x2900, s1;
	[sflag:s24] =	ssyncadd.s32 $0xFFFFE0C0  }
0x5b: {  	[spmem:s2] =	stream.indirect.scatter.add.f32 [tilespmem:s19], [sflag:$0x5], $0x40, s11, s14, $0xb8;
	[tilespmem:$0x16D00] =	vst v63  }
0x5c: {  	_ =	swait.ge [sflag:s10], $0x1F40  }
0x5d: {  	[sflag:s10] =	ssyncset.done $0x0  }
0x5e: {  	s11 =	sadd.s32 $0x300, s1;
	[sflag:s10] =	ssyncadd.s32 $0xFFFFE0C0  }
0x5f: {  	[tilespmem:s19], [sflag:$0x3] =	stream.indirect.gather [hbm4b:s4+s14], $0x40, s11, s14, $0xb8;
	[tilespmem:$0x16D00] =	vst v63  }
0x60: {  	_ =	swait.ge [sflag:s25], $0x1F40  }
0x61: {  	[sflag:s25] =	ssyncset.done $0x0  }
.Ltmp0:
0x62: {  	s11 =	sadd.s32 $0x2980, s1;
	[sflag:s25] =	ssyncadd.s32 $0xFFFFE0C0;
	(pc) =	sbr.rel @p0 .LBB2_2-.Ltmp0, $4  }
0x63: {  	[spmem:s2] =	stream.indirect.scatter.add.f32 [tilespmem:s21], [sflag:$0x5], $0x40, s11, s14, $0xb8;
	[tilespmem:$0x16D00] =	vst v63  }
0x64: {  	_ =	swait.ge [sflag:s10], $0x1F40  }
0x65: {  	[sflag:s10] =	ssyncset.done $0x0  }
0x66: {  	s1 =	sadd.s32 $0x380, s1;
	[sflag:s10] =	ssyncadd.s32 $0xFFFFE0C0  }
0x67: {  	[tilespmem:s21], [sflag:$0x4] =	stream.indirect.gather [hbm4b:s4+s14], $0x40, s1, s14, $0xb8;
	[tilespmem:$0x16D00] =	vst v63  }
0x68: {  	_ =	swait.ge [sflag:s22], $0x1F40  }
0x69: {  	[sflag:s22] =	ssyncset.done $0x0  }
0x6a: {  	[sflag:s22] =	ssyncadd.s32 $0xFFFFE0C0  }
0x6b: {  	[spmem:s2] =	stream.indirect.scatter.add.f32 [tilespmem:s15], [sflag:$0x5], $0x40, s26, s14, $0xb8;
	[tilespmem:$0x16D00] =	vst v63  }
0x6c: {  	_ =	swait.ge [sflag:s10], $0x1F40  }
0x6d: {  	[sflag:s10] =	ssyncset.done $0x0  }
0x6e: {  	[sflag:s10] =	ssyncadd.s32 $0xFFFFE0C0  }
0x6f: {  	_ =	swait.ge [sflag:s23], $0x1F40  }
0x70: {  	[sflag:s23] =	ssyncset.done $0x0  }
0x71: {  	[sflag:s23] =	ssyncadd.s32 $0xFFFFE0C0  }
0x72: {  	[spmem:s2] =	stream.indirect.scatter.add.f32 [tilespmem:s17], [sflag:$0x5], $0x40, s28, s14, $0xb8;
	[tilespmem:$0x16D00] =	vst v63  }
0x73: {  	_ =	swait.ge [sflag:s10], $0x1F40  }
0x74: {  	[sflag:s10] =	ssyncset.done $0x0  }
0x75: {  	[sflag:s10] =	ssyncadd.s32 $0xFFFFE0C0  }
0x76: {  	_ =	swait.ge [sflag:s24], $0x1F40  }
0x77: {  	[sflag:s24] =	ssyncset.done $0x0  }
0x78: {  	[sflag:s24] =	ssyncadd.s32 $0xFFFFE0C0  }
0x79: {  	[spmem:s2] =	stream.indirect.scatter.add.f32 [tilespmem:s19], [sflag:$0x5], $0x40, s29, s14, $0xb8;
	[tilespmem:$0x16D00] =	vst v63  }
0x7a: {  	_ =	swait.ge [sflag:s10], $0x1F40  }
0x7b: {  	[sflag:s10] =	ssyncset.done $0x0  }
0x7c: {  	[sflag:s10] =	ssyncadd.s32 $0xFFFFE0C0  }
0x7d: {  	_ =	swait.ge [sflag:s25], $0x1F40  }
0x7e: {  	[sflag:s25] =	ssyncset.done $0x0  }
0x7f: {  	[sflag:s25] =	ssyncadd.s32 $0xFFFFE0C0  }
0x80: {  	[spmem:s2] =	stream.indirect.scatter.add.f32 [tilespmem:s21], [sflag:$0x5], $0x40, s30, s14, $0xb8;
	[tilespmem:$0x16D00] =	vst v63  }
0x81: {  	_ =	swait.ge [sflag:s10], $0x1F40  }
0x82: {  	s31 =	sadd.s32 $0x1, s31;
	[sflag:s10] =	ssyncset.done $0x0  }
0x83: {  	p0 =	sne.s32 s31, s9;
	[sflag:s10] =	ssyncadd.s32 $0xFFFFE0C0  }
.Ltmp1:
0x84: {  	[bflag:$0x0] =	sbarrier.arrive $0xFFFF;
	(pc) =	sbr.rel @p0 .LBB2_1-.Ltmp1, $4  }
0x85: {  	[hbm:s8], [sflag:s12] =	dma.local [spmem:s13], $0x1400  }
0x86: {  	_ =	swait.ge [sflag:s10], $0x1400  }
0x87: {  	[sflag:s10] =	ssyncset.done $0x0  }
0x88: {  	[sflag:s10] =	ssyncadd.s32 $0xFFFFEC00  }
0x89: {  	_ =	sfence.sel $0x180000  }
0x8a: {  	[bflag:$0x0] =	sbarrier.arrive $0xFFFF  }
0x8b: {  	_ =	strace $0x9000004A  }
0x8c: {  	s0 =	stileid.u32;
	[bflag:$0x2] =	sbarrier.arrive $0xFFFF  }
0x8d: {  	p0 =	sne.s32 s0, $0x0;
	s0 =	rddreg [dreg:$0x3]  }
0x8e: {  	s0 =	sadd.s32 @!p0 $0x100000, s0  }
0x8f: {  	[sflag:s0] =	ssyncadd.tile.s32 @!p0 $0x1;
	_ =	shalt  }
.Lfunc_end2:
_tile_overlayer_lowered:
.L_overlay_start_2:
0x90: {  	(tag) =	ssettag $0x2  }
0x91: {  	s0 =	rddreg [dreg:$0x0];
	s2 =	stileid.u32  }
0x92: {  	s1 =	rddreg [dreg:$0x1];
	p0 =	sne.s32 s2, $0x0  }
0x93: {  	s3 =	rddreg [dreg:$0x2];
	[bflag:$0x3] =	sbarrier.arrive $0xFFFF;
	s2 =	simm.s32 @!p0 $0x1C05  }
0x94: {  	[timem:s3], [sflag:s2] =	dma.local @!p0 [hbm:s0], s1  }
0x95: {  	s0 =	simm.s32 @!p0 $0x5  }
0x96: {  	_ =	swait.ge @!p0 [sflag:s0], s1  }
0x97: {  	s1 =	ssub.s32 @!p0 $0x0, s1;
	[sflag:s0] =	ssyncset.done @!p0 $0x0  }
0x98: {  	[sflag:s0] =	ssyncadd.s32 @!p0 s1  }
0x99: {  	[bflag:$0x3] =	sbarrier.arrive $0xFFFF  }
0x9a: {  	_ =	shalt  }

// kernel: kernel.7.cloned.1.call-start
scs
__scs_entry_jumppad:
0x0: {  	(pc) =	sbr.rel $0x88, $3  }
0x1: {  	(tag) =	ssettag $0x0;
	lr =	simm.s32 $0x1  }
0x2: {  	[smem:$0x3F99] =	sst lr;
	_ =	strace $0xD0000000  }
0x3: {  	_ = 	snop  }
0x4: {  	_ = 	snop  }
0x5: {  	_ = 	snop  }
0x6: {  	_ = 	snop  }
0x7: {  	_ = 	snop  }
__scs_overlays_trampoline_lowered:
0x8: {  	[smem:$0x3FA8] =	sst s0  }
0x9: {  	[smem:$0x3FA9] =	sst s1  }
0xa: {  	[smem:$0x3FAA] =	sst s2  }
0xb: {  	[smem:$0x3FAB] =	sst s3  }
0xc: {  	[smem:$0x3FAC] =	sst s4  }
0xd: {  	[smem:$0x3FAD] =	sst s5  }
0xe: {  	[smem:$0x3FAE] =	sst s6  }
0xf: {  	[smem:$0x3FAF] =	sst s7  }
0x10: {  	[smem:$0x3FB0] =	sst s8  }
0x11: {  	[smem:$0x3FB1] =	sst s9;
	s0 =	simm.s32 @!p0 $0x0  }
0x12: {  	s1 =	sld [smem:$0x3F97];
	s0 =	simm.s32 @p0 $0x1  }
0x13: {  	[smem:$0x3FB2] =	sst s0;
	s0 =	simm.s32 @!p1 $0x0  }
0x14: {  	s2 =	sld [smem:$0x3F96];
	s0 =	simm.s32 @p1 $0x1  }
0x15: {  	[smem:$0x3FB3] =	sst s0;
	s0 =	simm.s32 @!p2 $0x0  }
0x16: {  	s3 =	sld [smem:$0x3FDB];
	s0 =	simm.s32 @p2 $0x1  }
0x17: {  	s4 =	simm.s32 $0x1BF5;
	[smem:$0x3FB5] =	sst s0  }
0x18: {  	s0 =	sld [smem:$0x3F98];
	_ =	swait.ge [sflag:s4], $0x0  }
0x19: {  	s7 =	sld [smem:$0x3F99]  }
0x1a: {  	s8 =	sadd.s32 $0xFFFFE003, lr  }
0x1b: {  	s9 =	sadd.s32 $0xFFFFFEF7, lr;
	s5 =	simm.s32 $0xFFFFFFFF;
	p2 =	slt.u32 s8, $0xFFFFF086  }
0x1c: {  	p1 =	slt.u32 s9, $0xF7A;
	s5 =	simm.s32 @!p2 $0x0  }
0x1d: {  	s5 =	simm.s32 @p1 $0x1;
	p0 =	seq.s32 s7, s2  }
0x1e: {  	s7 =	smul.u32 @!p0 $0xF7A, s2;
	p2 =	seq.s32 @!p0 s5, $0x0  }
0x1f: {  	s9 =	smul.u32 $0xF7A, s1;
	s8 =	simm.s32 @!p0 $0x1BF5;
	p2 =	por !p2, p0  }
0x20: {  	[sflag:s8] =	ssyncset.s32 @!p0 $0xFFFFF086;
	s6 =	sadd.s32 @!p0 s3, s7;
	s7 =	simm.s32 @!p0 $0x108  }
0x21: {  	s3 =	sadd.s32 s3, s9;
	s6 =	sadd.s32 @!p0 $0x88, s6;
	s7 =	simm.s32 @p2 $0x1082  }
0x22: {  	[simem:s7], [sflag:s8] =	dma.local @!p0 [hbm:s6], $0xF7A  }
0x23: {  	s9 =	sor.u32 $0xD0000000, s2;
	s6 =	simm.s32 $0x108;
	_ =	swait.ge @!p0 [sflag:s8], $0x0  }
0x24: {  	s3 =	sadd.s32 $0x88, s3;
	s6 =	simm.s32 @!p1 $0x1082;
	[sflag:s4] =	ssyncset.s32 $0xFFFFF086  }
0x25: {  	[simem:s6], [sflag:s4] =	dma.local [hbm:s3], $0xF7A  }
0x26: {  	[smem:$0x3F99] =	sst s1;
	(tag) =	ssettag s2;
	_ =	strace s9  }
0x27: {  	s1 =	sld [smem:$0x3FA9]  }
0x28: {  	s2 =	sld [smem:$0x3FAA]  }
0x29: {  	s4 =	sld [smem:$0x3FAC]  }
0x2a: {  	p0 =	seq.s32 s5, $0x0;
	s5 =	sld [smem:$0x3FAD]  }
0x2b: {  	s6 =	sld [smem:$0x3FAE]  }
0x2c: {  	s7 =	sld [smem:$0x3FAF]  }
0x2d: {  	s3 =	simm.s32 $0x108;
	s8 =	sld [smem:$0x3FB0]  }
0x2e: {  	s3 =	simm.s32 @!p0 $0x1082;
	s9 =	sld [smem:$0x3FB1]  }
0x2f: {  	lr =	sadd.s32 s0, s3;
	s0 =	sld [smem:$0x3FA8]  }
0x30: {  	s3 =	sld [smem:$0x3FAB]  }
0x31: {  	[smem:$0x3FB4] =	sst s10  }
0x32: {  	s10 =	sld [smem:$0x3FB2];
	_ =	sdelay $0x3  }
0x33: {  	p0 =	seq.s32 s10, $0x1;
	s10 =	sld [smem:$0x3FB4];
	_ =	sdelay $0x3  }
0x34: {  	[smem:$0x3FB4] =	sst s10  }
0x35: {  	s10 =	sld [smem:$0x3FB3];
	_ =	sdelay $0x3  }
0x36: {  	p1 =	seq.s32 s10, $0x1;
	s10 =	sld [smem:$0x3FB4];
	_ =	sdelay $0x3  }
0x37: {  	[smem:$0x3FB4] =	sst s10  }
0x38: {  	s10 =	sld [smem:$0x3FB5]  }
0x39: {  	_ = 	snop;
	(pc) =	sbr.ind lr, $3  }
0x3a: {  	_ = 	snop  }
0x3b: {  	_ = 	snop  }
0x3c: {  	p2 =	seq.s32 s10, $0x1;
	s10 =	sld [smem:$0x3FB4]  }
0x3d: {  	_ =	shalt  }
0x3e: {  	_ =	shalt  }
0x3f: {  	_ =	shalt  }
0x40: {  	_ =	shalt  }
0x41: {  	_ =	shalt  }
0x42: {  	_ =	shalt  }
0x43: {  	_ =	shalt  }
0x44: {  	_ =	shalt  }
0x45: {  	_ =	shalt  }
0x46: {  	_ =	shalt  }
0x47: {  	_ =	shalt  }
0x48: {  	_ =	shalt  }
0x49: {  	_ =	shalt  }
0x4a: {  	_ =	shalt  }
0x4b: {  	_ =	shalt  }
0x4c: {  	_ =	shalt  }
0x4d: {  	_ =	shalt  }
0x4e: {  	_ =	shalt  }
0x4f: {  	_ =	shalt  }
0x50: {  	_ =	shalt  }
0x51: {  	_ =	shalt  }
0x52: {  	_ =	shalt  }
0x53: {  	_ =	shalt  }
0x54: {  	_ =	shalt  }
0x55: {  	_ =	shalt  }
0x56: {  	_ =	shalt  }
0x57: {  	_ =	shalt  }
0x58: {  	_ =	shalt  }
0x59: {  	_ =	shalt  }
0x5a: {  	_ =	shalt  }
0x5b: {  	_ =	shalt  }
0x5c: {  	_ =	shalt  }
0x5d: {  	_ =	shalt  }
0x5e: {  	_ =	shalt  }
0x5f: {  	_ =	shalt  }
0x60: {  	_ =	shalt  }
0x61: {  	_ =	shalt  }
0x62: {  	_ =	shalt  }
0x63: {  	_ =	shalt  }
0x64: {  	_ =	shalt  }
0x65: {  	_ =	shalt  }
0x66: {  	_ =	shalt  }
0x67: {  	_ =	shalt  }
0x68: {  	_ =	shalt  }
0x69: {  	_ =	shalt  }
0x6a: {  	_ =	shalt  }
0x6b: {  	_ =	shalt  }
0x6c: {  	_ =	shalt  }
0x6d: {  	_ =	shalt  }
0x6e: {  	_ =	shalt  }
0x6f: {  	_ =	shalt  }
0x70: {  	_ =	shalt  }
0x71: {  	_ =	shalt  }
0x72: {  	_ =	shalt  }
0x73: {  	_ =	shalt  }
0x74: {  	_ =	shalt  }
0x75: {  	_ =	shalt  }
0x76: {  	_ =	shalt  }
0x77: {  	_ =	shalt  }
0x78: {  	_ =	shalt  }
0x79: {  	_ =	shalt  }
0x7a: {  	_ =	shalt  }
0x7b: {  	_ =	shalt  }
0x7c: {  	_ =	shalt  }
0x7d: {  	_ =	shalt  }
0x7e: {  	_ =	shalt  }
0x7f: {  	_ =	shalt  }
0x80: {  	_ =	shalt  }
0x81: {  	_ =	shalt  }
0x82: {  	_ =	shalt  }
0x83: {  	_ =	shalt  }
0x84: {  	_ =	shalt  }
0x85: {  	_ =	shalt  }
0x86: {  	_ =	shalt  }
0x87: {  	_ =	shalt  }
.Lfunc_end0:
.L_simem_size_0:
called_computation_lowered:
.L_overlay_start_0:
0x88: {  	s2 =	sld [smem:$0x3FD9]  }
0x89: {  	s3 =	sld [smem:$0x3FFE];
	_ =	sdelay $0x1  }
0x8a: {  	s1 =	srdreg.scid  }
0x8b: {  	s0 =	sand.u32 $0x1, s1  }
0x8c: {  	s17 =	sshll.u32 s0, $0xA;
	s2 =	sadd.s32 s3, s2  }
0x8d: {  	s2 =	sadd.s32 s2, s17  }
0x8e: {  	[smem:$0x3FC0] =	sst s2  }
0x8f: {  	_ = 	snop  }
0x90: {  	s2 =	sld [smem:$0x3FD0];
	(tm) =	ssettm $0x1  }
0x91: {  	s18 =	sld [smem:$0x3FFB];
	_ =	sdelay $0x3  }
0x92: {  	_ =	strace s18  }
0x93: {  	s3 =	sld [smem:$0x3FFC];
	_ =	sdelay $0x3  }
0x94: {  	_ =	strace s3  }
0x95: {  	s3 =	sld [smem:$0x3FFD];
	_ =	sdelay $0x3  }
0x96: {  	_ =	strace s3  }
0x97: {  	_ =	strace $0x8FFFFFFF  }
0x98: {  	s19 =	sld [smem:$0x3FDB];
	_ =	sdelay $0x1  }
0x99: {  	s4 =	simm.s32 $_scs_section_size  }
0x9a: {  	s5 =	simm.s32 $_size__tile_overlayer_lowered;
	s6 =	simm.s32 $_tile_overlayer_lowered  }
0x9b: {  	s22 =	simm.s32 $0x1BFF;
	s21 =	sshll.u32 s6, $0x1;
	s3 =	sadd.s32 s4, s19  }
0x9c: {  	s7 =	simm.s32 $0x0;
	s20 =	sshll.u32 s5, $0x1;
	s5 =	sadd.s32 s21, s3  }
0x9d: {  	[timem:s7], [sflag:s22] =	dma.local [hbm:s5], s20  }
0x9e: {  	_ =	swait.ge [sflag:s22], s20  }
0x9f: {  	s4 =	ssub.s32 $0x0, s20;
	[sflag:s22] =	ssyncset.done $0x0  }
0xa0: {  	[sflag:s22] =	ssyncadd.s32 s4;
	_ =	sdelay $0x1  }
0xa1: {  	s23 =	simm.s32 $0x1B8B  }
0xa2: {  	_ =	swait.ge [sflag:s23], $0x1  }
0xa3: {  	[sflag:s23] =	ssyncset.done $0x0  }
0xa4: {  	s25 =	simm.s32 $0x1B8E;
	s24 =	sld [smem:$0x3FFE];
	[sflag:s23] =	ssyncadd.s32 $0xFFFFFFFF  }
0xa5: {  	s26 =	simm.s32 $execute0_lowered;
	[smem:$0x3FD2] =	sst s25  }
0xa6: {  	s5 =	sshll.u32 s26, $0x1;
	_ =	strace $0x80000046;
	[dreg:$0x1] =	wrdreg $0xFFFFFFFF  }
0xa7: {  	s28 =	simm.s32 $_size_execute0_lowered;
	s3 =	sadd.s32 s3, s5;
	[dreg:$0x0] =	wrdreg $0x0  }
0xa8: {  	s5 =	sshll.u32 s28, $0x1;
	[dreg:$0x2] =	wrdreg s3  }
0xa9: {  	[dreg:$0x3] =	wrdreg s5  }
0xaa: {  	[dreg:$0x4] =	wrdreg $0xC0  }
0xab: {  	_ =	task [dreg:s7], $0x5FFFF  }
0xac: {  	[dreg:$0x1] =	wrdreg $0xFFFFFFFF  }
0xad: {  	[dreg:$0x0] =	wrdreg $0x60  }
0xae: {  	[dreg:$0x2] =	wrdreg s24  }
0xaf: {  	[dreg:$0x3] =	wrdreg s2  }
0xb0: {  	[dreg:$0x4] =	wrdreg $0xCD000  }
0xb1: {  	[dreg:$0x5] =	wrdreg $0x174D00  }
0xb2: {  	[dreg:$0x6] =	wrdreg $0x9  }
0xb3: {  	_ =	task.clear_ibuf [dreg:s7], $0x7FFFF;
	_ =	strace $0x90000046  }
0xb4: {  	s29 =	simm.s32 $0x9;
	_ =	strace $0x80000048  }
0xb5: {  	_ =	swait.ge [sflag:s29], $0x1  }
0xb6: {  	[sflag:s29] =	ssyncadd.s32 $0xFFFFFFFF  }
0xb7: {  	_ =	strace $0x90000048  }
0xb8: {  	_ =	sfence  }
0xb9: {  	s30 =	sld [smem:$0x0];
	_ =	sdelay $0x2  }
0xba: {  	s31 =	sshll.u32 s1, $0xD;
	s1 =	sshrl.u32 s1, $0x2  }
0xbb: {  	s3 =	sand.u32 $0x4000, s31;
	s1 =	sadd.s32 s1, s30  }
0xbc: {  	s0 =	sor.u32 s3, s0;
	s1 =	sshll.u32 s1, $0x11  }
0xbd: {  	s0 =	sor.u32 s1, s0  }
0xbe: {  	s0 =	sadd.s32 $0x8F2B, s0  }
0xbf: {  	[sflag:s0] =	ssyncadd.remote.s32 $0x1  }
0xc0: {  	_ =	sfence.sel $0xFFFF  }
0xc1: {  	[dreg:$0x0] =	wrdreg $0xFFFFFFFF;
	(pc) =	sbr.abs _section_cstart, $3  }
0xc2: {  	[dreg:$0x1] =	wrdreg $0xFFFFFFFF  }
0xc3: {  	_ =	task.clear_ibuf [dreg:s7], $0x2FFFF;
	_ =	strace $0x9FFFFFFF  }
0xc4: {  	(tm) =	ssettm $0x7FFFFFFF  }
0xc5: {  	_ =	shalt  }
tec
execute0_lowered:
.L_overlay_start_1:
0x0: {  	(tag) =	ssettag $0x1  }
0x1: {  	s0 =	rddreg [dreg:$0x0]  }
0x2: {  	s2 =	rddreg [dreg:$0x1]  }
0x3: {  	s1 =	rddreg [dreg:$0x2]  }
0x4: {  	s3 =	rddreg [dreg:$0x3];
	s4 =	simm.s32 $0x0;
	s5 =	srdreg.scid  }
0x5: {  	s14 =	stileid.u32;
	s18 =	simm.s32 $0x16D00;
	s28 =	simm.s32 $0xADC0  }
0x6: {  	s29 =	simm.s32 $0x1;
	s30 =	simm.s32 $0x2;
	s31 =	simm.s32 $0x3  }
0x7: {  	s15 =	simm.s32 $0x4E80;
	[smem:$0x7FF] =	sst s4;
	s7 =	smul.u32 $0xA000, s14  }
0x8: {  	s6 =	sand.u32 $0x1, s5;
	s5 =	sadd.s32 $0x1C00, s0;
	s11 =	smul.u32 $0x2800, s14  }
0x9: {  	s9 =	sshll.u32 s14, $0x1;
	s12 =	sadd.s32 $0x15600, s0;
	s19 =	sadd.s32 $0x16A00, s0  }
0xa: {  	s20 =	sadd.s32 $0x17000, s0;
	s26 =	sshll.u32 s14, $0x6;
	s14 =	simm.s32 $0x6  }
0xb: {  	_ =	strace $0x80000047;
	s8 =	smul.u32 $0xA0000, s6;
	[dreg:$0x5] =	wrdreg s12  }
0xc: {  	s10 =	smul.u32 $0x28000, s6;
	s9 =	sor.u32 s6, s9;
	[dreg:$0x6] =	wrdreg s19  }
0xd: {  	[dreg:$0x7] =	wrdreg s20;
	s6 =	ssub.s32 $0x2, s6;
	s16 =	sor.u32 $0x1C06, s26  }
0xe: {  	s20 =	simm.s32 $0x7D;
	s26 =	simm.s32 $0x5;
	s9 =	smul.u32 $0x2800, s9  }
0xf: {  	s21 =	sshrl.u32 s6, $0x1;
	s24 =	sadd.s32 s7, s1;
	s25 =	sadd.s32 s11, s3  }
0x10: {  	s8 =	sadd.s32 s7, s8;
	s10 =	sadd.s32 s11, s10;
	s22 =	ssub.s32 s6, s21  }
0x11: {  	s17 =	sshrl.u32 s24, $0x3;
	s19 =	sshrl.u32 s25, $0x3;
	s21 =	simm.s32 $0x5000  }
0x12: {  	s25 =	simm.s32 $0x8E80;
	s24 =	simm.s32 $0x4F80;
	s6 =	simm.s32 $0x0  }
0x13: {  	s8 =	sshrl.u32 s8, $0x3;
	s9 =	sshrl.u32 s9, $0x3;
	s10 =	sshrl.u32 s10, $0x3  }
0x14: {  	s13 =	smax.u32 s22, $0x1;
	s22 =	simm.s32 $0x4F00;
	s8 =	sadd.s32 s8, s0  }
0x15: {  	s9 =	sadd.s32 s2, s9;
	s0 =	sadd.s32 s10, s0;
	s2 =	simm.s32 $0x4E00  }
0x16: {  	s23 =	sadd.s32 $0xA000, s9;
	s11 =	sadd.s32 $0x17200, s8;
	s12 =	sadd.s32 $0x3F200, s0  }
0x17: {  	s0 =	simm.s32 $0x4;
	[dreg:$0x8] =	wrdreg s23;
	s23 =	simm.s32 $0x6F40  }
.LBB2_1:
0x18: {  	[tilespmem:s4], [sflag:$0x6] =	stream.linear.gather [hbm4b:s9+s4], $0x2800, $0x38;
	[tilespmem:$0x19CD0] =	vst v63  }
0x19: {  	_ =	swait.ge [sflag:s14], $0x2800  }
0x1a: {  	[sflag:s14] =	ssyncset.done $0x0  }
0x1b: {  	s8 =	simm.s32 $0x2800;
	s7 =	rddreg [dreg:$0x8];
	[sflag:s14] =	ssyncadd.s32 $0xFFFFD800  }
0x1c: {  	[tilespmem:s8], [sflag:$0x6] =	stream.linear.gather [hbm4b:s7+s4], $0x2800, $0x38;
	[tilespmem:$0x19CD0] =	vst v63  }
0x1d: {  	_ =	swait.ge [sflag:s14], $0x2800  }
0x1e: {  	[sflag:s14] =	ssyncset.done $0x0  }
0x1f: {  	s10 =	rddreg [dreg:$0x5];
	[sflag:s14] =	ssyncadd.s32 $0xFFFFD800  }
0x20: {  	[spmem:s17], [sflag:s16] =	dma.local [hbm:s10], $0x1400  }
0x21: {  	_ =	swait.ge [sflag:s14], $0x1400  }
0x22: {  	[sflag:s14] =	ssyncset.done $0x0  }
0x23: {  	s8 =	rddreg [dreg:$0x7];
	[sflag:s14] =	ssyncadd.s32 $0xFFFFEC00  }
0x24: {  	[tilespmem:s18], [sflag:$0x6] =	stream.linear.gather [hbm4b:s8+s4], $0x7D0, $0x38;
	[tilespmem:$0x19CD0] =	vst v63  }
0x25: {  	_ =	swait.ge [sflag:s14], $0x7D0  }
0x26: {  	[sflag:s14] =	ssyncset.done $0x0  }
0x27: {  	s10 =	rddreg [dreg:$0x6];
	[sflag:s14] =	ssyncadd.s32 $0xFFFFF830  }
0x28: {  	[spmem:s19], [sflag:s16] =	dma.local [hbm:s10], $0x500  }
0x29: {  	_ =	swait.ge [sflag:s14], $0x500  }
0x2a: {  	[sflag:s14] =	ssyncset.done $0x0  }
0x2b: {  	[sflag:s14] =	ssyncadd.s32 $0xFFFFFB00  }
0x2c: {  	[bflag:$0x0] =	sbarrier.arrive $0xFFFF  }
0x2d: {  	[tilespmem:s21], [sflag:$0x1] =	stream.indirect.gather [hbm4b:s5+s20], $0x40, s4, s20, $0xb8;
	[tilespmem:$0x19CD0] =	vst v63  }
0x2e: {  	s8 =	simm.s32 $0x80  }
0x2f: {  	[tilespmem:s23], [sflag:$0x2] =	stream.indirect.gather [hbm4b:s5+s20], $0x40, s8, s20, $0xb8;
	[tilespmem:$0x19CD0] =	vst v63  }
0x30: {  	s10 =	simm.s32 $0x100  }
0x31: {  	[tilespmem:s25], [sflag:$0x3] =	stream.indirect.gather [hbm4b:s5+s20], $0x40, s10, s20, $0xb8;
	[tilespmem:$0x19CD0] =	vst v63  }
0x32: {  	s8 =	simm.s32 $0x180  }
0x33: {  	[tilespmem:s28], [sflag:$0x4] =	stream.indirect.gather [hbm4b:s5+s20], $0x40, s8, s20, $0xb8;
	[tilespmem:$0x19CD0] =	vst v63  }
0x34: {  	_ =	swait.ge [sflag:s29], $0x1F40  }
0x35: {  	[sflag:s29] =	ssyncset.done $0x0  }
0x36: {  	s10 =	simm.s32 $0x2800;
	[sflag:s29] =	ssyncadd.s32 $0xFFFFE0C0  }
0x37: {  	[spmem:s1] =	stream.indirect.scatter.add.f32 [tilespmem:s21], [sflag:$0x6], $0x40, s10, s20, $0xb8;
	[tilespmem:$0x19CD0] =	vst v63  }
0x38: {  	_ =	swait.ge [sflag:s14], $0x1F40  }
0x39: {  	[sflag:s14] =	ssyncset.done $0x0  }
0x3a: {  	[sflag:s14] =	ssyncadd.s32 $0xFFFFE0C0  }
0x3b: {  	[spmem:s3] =	stream.indirect.scatter.add.f32 [tilespmem:s18], [sflag:$0x5], $0x10, s10, s20, $0xb8;
	[tilespmem:$0x19CD0] =	vst v63  }
0x3c: {  	s8 =	simm.s32 $0x200  }
0x3d: {  	[tilespmem:s21], [sflag:$0x1] =	stream.indirect.gather [hbm4b:s5+s20], $0x40, s8, s20, $0xb8;
	[tilespmem:$0x19CD0] =	vst v63  }
0x3e: {  	_ =	swait.ge [sflag:s30], $0x1F40  }
0x3f: {  	[sflag:s30] =	ssyncset.done $0x0  }
0x40: {  	s10 =	simm.s32 $0x2880;
	[sflag:s30] =	ssyncadd.s32 $0xFFFFE0C0  }
0x41: {  	[spmem:s1] =	stream.indirect.scatter.add.f32 [tilespmem:s23], [sflag:$0x6], $0x40, s10, s20, $0xb8;
	[tilespmem:$0x19CD0] =	vst v63  }
0x42: {  	_ =	swait.ge [sflag:s14], $0x1F40  }
0x43: {  	[sflag:s14] =	ssyncset.done $0x0  }
0x44: {  	[sflag:s14] =	ssyncadd.s32 $0xFFFFE0C0  }
0x45: {  	[spmem:s3] =	stream.indirect.scatter.add.f32 [tilespmem:s18], [sflag:$0x5], $0x10, s10, s20, $0xb8;
	[tilespmem:$0x19CD0] =	vst v63  }
0x46: {  	s8 =	simm.s32 $0x280  }
0x47: {  	[tilespmem:s23], [sflag:$0x2] =	stream.indirect.gather [hbm4b:s5+s20], $0x40, s8, s20, $0xb8;
	[tilespmem:$0x19CD0] =	vst v63  }
0x48: {  	_ =	swait.ge [sflag:s31], $0x1F40  }
0x49: {  	[sflag:s31] =	ssyncset.done $0x0  }
0x4a: {  	s10 =	simm.s32 $0x2900;
	[sflag:s31] =	ssyncadd.s32 $0xFFFFE0C0  }
0x4b: {  	[spmem:s1] =	stream.indirect.scatter.add.f32 [tilespmem:s25], [sflag:$0x6], $0x40, s10, s20, $0xb8;
	[tilespmem:$0x19CD0] =	vst v63  }
0x4c: {  	_ =	swait.ge [sflag:s14], $0x1F40  }
0x4d: {  	[sflag:s14] =	ssyncset.done $0x0  }
0x4e: {  	[sflag:s14] =	ssyncadd.s32 $0xFFFFE0C0  }
0x4f: {  	[spmem:s3] =	stream.indirect.scatter.add.f32 [tilespmem:s18], [sflag:$0x5], $0x10, s10, s20, $0xb8;
	[tilespmem:$0x19CD0] =	vst v63  }
0x50: {  	s8 =	simm.s32 $0x300  }
0x51: {  	[tilespmem:s25], [sflag:$0x3] =	stream.indirect.gather [hbm4b:s5+s20], $0x40, s8, s20, $0xb8;
	[tilespmem:$0x19CD0] =	vst v63  }
0x52: {  	_ =	swait.ge [sflag:s0], $0x1F40  }
0x53: {  	[sflag:s0] =	ssyncset.done $0x0  }
0x54: {  	s10 =	simm.s32 $0x2980;
	[sflag:s0] =	ssyncadd.s32 $0xFFFFE0C0  }
0x55: {  	[spmem:s1] =	stream.indirect.scatter.add.f32 [tilespmem:s28], [sflag:$0x6], $0x40, s10, s20, $0xb8;
	[tilespmem:$0x19CD0] =	vst v63  }
0x56: {  	_ =	swait.ge [sflag:s14], $0x1F40  }
0x57: {  	[sflag:s14] =	ssyncset.done $0x0  }
0x58: {  	s7 =	simm.s32 $0x800;
	s8 =	simm.s32 $0x380;
	[sflag:s14] =	ssyncadd.s32 $0xFFFFE0C0  }
0x59: {  	[spmem:s3] =	stream.indirect.scatter.add.f32 [tilespmem:s18], [sflag:$0x5], $0x10, s10, s20, $0xb8;
	[tilespmem:$0x19CD0] =	vst v63  }
.LBB2_2:
0x5a: {  	[tilespmem:s28], [sflag:$0x4] =	stream.indirect.gather [hbm4b:s5+s20], $0x40, s8, s20, $0xb8;
	[tilespmem:$0x19CD0] =	vst v63  }
0x5b: {  	s8 =	smov.u32 s7  }
0x5c: {  	p0 =	sne.s32 s7, $0x9000;
	s7 =	sadd.s32 $0x800, s7;
	_ =	swait.ge [sflag:s29], $0x1F40  }
0x5d: {  	s8 =	sshra.s32 s8, $0x2;
	[sflag:s29] =	ssyncset.done $0x0  }
0x5e: {  	s10 =	sadd.s32 $0x2800, s8;
	[sflag:s29] =	ssyncadd.s32 $0xFFFFE0C0  }
0x5f: {  	[spmem:s1] =	stream.indirect.scatter.add.f32 [tilespmem:s21], [sflag:$0x6], $0x40, s10, s20, $0xb8;
	[tilespmem:$0x19CD0] =	vst v63  }
0x60: {  	_ =	swait.ge [sflag:s14], $0x1F40  }
0x61: {  	[sflag:s14] =	ssyncset.done $0x0  }
0x62: {  	[sflag:s14] =	ssyncadd.s32 $0xFFFFE0C0  }
0x63: {  	[spmem:s3] =	stream.indirect.scatter.add.f32 [tilespmem:s18], [sflag:$0x5], $0x10, s10, s20, $0xb8;
	[tilespmem:$0x19CD0] =	vst v63  }
0x64: {  	s10 =	sadd.s32 $0x200, s8  }
0x65: {  	[tilespmem:s21], [sflag:$0x1] =	stream.indirect.gather [hbm4b:s5+s20], $0x40, s10, s20, $0xb8;
	[tilespmem:$0x19CD0] =	vst v63  }
0x66: {  	_ =	swait.ge [sflag:s30], $0x1F40  }
0x67: {  	[sflag:s30] =	ssyncset.done $0x0  }
0x68: {  	s10 =	sadd.s32 $0x2880, s8;
	[sflag:s30] =	ssyncadd.s32 $0xFFFFE0C0  }
0x69: {  	[spmem:s1] =	stream.indirect.scatter.add.f32 [tilespmem:s23], [sflag:$0x6], $0x40, s10, s20, $0xb8;
	[tilespmem:$0x19CD0] =	vst v63  }
0x6a: {  	_ =	swait.ge [sflag:s14], $0x1F40  }
0x6b: {  	[sflag:s14] =	ssyncset.done $0x0  }
0x6c: {  	[sflag:s14] =	ssyncadd.s32 $0xFFFFE0C0  }
0x6d: {  	[spmem:s3] =	stream.indirect.scatter.add.f32 [tilespmem:s18], [sflag:$0x5], $0x10, s10, s20, $0xb8;
	[tilespmem:$0x19CD0] =	vst v63  }
0x6e: {  	s10 =	sadd.s32 $0x280, s8  }
0x6f: {  	[tilespmem:s23], [sflag:$0x2] =	stream.indirect.gather [hbm4b:s5+s20], $0x40, s10, s20, $0xb8;
	[tilespmem:$0x19CD0] =	vst v63  }
0x70: {  	_ =	swait.ge [sflag:s31], $0x1F40  }
0x71: {  	[sflag:s31] =	ssyncset.done $0x0  }
0x72: {  	s10 =	sadd.s32 $0x2900, s8;
	[sflag:s31] =	ssyncadd.s32 $0xFFFFE0C0  }
0x73: {  	[spmem:s1] =	stream.indirect.scatter.add.f32 [tilespmem:s25], [sflag:$0x6], $0x40, s10, s20, $0xb8;
	[tilespmem:$0x19CD0] =	vst v63  }
0x74: {  	_ =	swait.ge [sflag:s14], $0x1F40  }
0x75: {  	[sflag:s14] =	ssyncset.done $0x0  }
0x76: {  	[sflag:s14] =	ssyncadd.s32 $0xFFFFE0C0  }
0x77: {  	[spmem:s3] =	stream.indirect.scatter.add.f32 [tilespmem:s18], [sflag:$0x5], $0x10, s10, s20, $0xb8;
	[tilespmem:$0x19CD0] =	vst v63  }
0x78: {  	s10 =	sadd.s32 $0x300, s8  }
0x79: {  	[tilespmem:s25], [sflag:$0x3] =	stream.indirect.gather [hbm4b:s5+s20], $0x40, s10, s20, $0xb8;
	[tilespmem:$0x19CD0] =	vst v63  }
0x7a: {  	_ =	swait.ge [sflag:s0], $0x1F40  }
0x7b: {  	[sflag:s0] =	ssyncset.done $0x0  }
0x7c: {  	s10 =	sadd.s32 $0x2980, s8;
	[sflag:s0] =	ssyncadd.s32 $0xFFFFE0C0  }
0x7d: {  	[spmem:s1] =	stream.indirect.scatter.add.f32 [tilespmem:s28], [sflag:$0x6], $0x40, s10, s20, $0xb8;
	[tilespmem:$0x19CD0] =	vst v63  }
.Ltmp0:
0x7e: {  	_ =	swait.ge [sflag:s14], $0x1F40;
	(pc) =	sbr.rel @p0 .LBB2_2-.Ltmp0, $4  }
0x7f: {  	[sflag:s14] =	ssyncset.done $0x0  }
0x80: {  	[sflag:s14] =	ssyncadd.s32 $0xFFFFE0C0  }
0x81: {  	[spmem:s3] =	stream.indirect.scatter.add.f32 [tilespmem:s18], [sflag:$0x5], $0x10, s10, s20, $0xb8;
	[tilespmem:$0x19CD0] =	vst v63  }
0x82: {  	s8 =	sadd.s32 $0x380, s8  }
0x83: {  	[tilespmem:s28], [sflag:$0x4] =	stream.indirect.gather [hbm4b:s5+s20], $0x40, s8, s20, $0xb8;
	[tilespmem:$0x19CD0] =	vst v63  }
0x84: {  	_ =	swait.ge [sflag:s29], $0x1F40  }
0x85: {  	[sflag:s29] =	ssyncset.done $0x0  }
0x86: {  	[sflag:s29] =	ssyncadd.s32 $0xFFFFE0C0  }
0x87: {  	[spmem:s1] =	stream.indirect.scatter.add.f32 [tilespmem:s21], [sflag:$0x6], $0x40, s2, s20, $0xb8;
	[tilespmem:$0x19CD0] =	vst v63  }
0x88: {  	_ =	swait.ge [sflag:s14], $0x1F40  }
0x89: {  	[sflag:s14] =	ssyncset.done $0x0  }
0x8a: {  	[sflag:s14] =	ssyncadd.s32 $0xFFFFE0C0  }
0x8b: {  	[spmem:s3] =	stream.indirect.scatter.add.f32 [tilespmem:s18], [sflag:$0x5], $0x10, s2, s20, $0xb8;
	[tilespmem:$0x19CD0] =	vst v63  }
0x8c: {  	_ =	swait.ge [sflag:s30], $0x1F40  }
0x8d: {  	[sflag:s30] =	ssyncset.done $0x0  }
0x8e: {  	[sflag:s30] =	ssyncadd.s32 $0xFFFFE0C0  }
0x8f: {  	[spmem:s1] =	stream.indirect.scatter.add.f32 [tilespmem:s23], [sflag:$0x6], $0x40, s15, s20, $0xb8;
	[tilespmem:$0x19CD0] =	vst v63  }
0x90: {  	_ =	swait.ge [sflag:s14], $0x1F40  }
0x91: {  	[sflag:s14] =	ssyncset.done $0x0  }
0x92: {  	[sflag:s14] =	ssyncadd.s32 $0xFFFFE0C0  }
0x93: {  	[spmem:s3] =	stream.indirect.scatter.add.f32 [tilespmem:s18], [sflag:$0x5], $0x10, s15, s20, $0xb8;
	[tilespmem:$0x19CD0] =	vst v63  }
0x94: {  	_ =	swait.ge [sflag:s31], $0x1F40  }
0x95: {  	[sflag:s31] =	ssyncset.done $0x0  }
0x96: {  	[sflag:s31] =	ssyncadd.s32 $0xFFFFE0C0  }
0x97: {  	[spmem:s1] =	stream.indirect.scatter.add.f32 [tilespmem:s25], [sflag:$0x6], $0x40, s22, s20, $0xb8;
	[tilespmem:$0x19CD0] =	vst v63  }
0x98: {  	_ =	swait.ge [sflag:s14], $0x1F40  }
0x99: {  	[sflag:s14] =	ssyncset.done $0x0  }
0x9a: {  	[sflag:s14] =	ssyncadd.s32 $0xFFFFE0C0  }
0x9b: {  	[spmem:s3] =	stream.indirect.scatter.add.f32 [tilespmem:s18], [sflag:$0x5], $0x10, s22, s20, $0xb8;
	[tilespmem:$0x19CD0] =	vst v63  }
0x9c: {  	_ =	swait.ge [sflag:s0], $0x1F40  }
0x9d: {  	[sflag:s0] =	ssyncset.done $0x0  }
0x9e: {  	[sflag:s0] =	ssyncadd.s32 $0xFFFFE0C0  }
0x9f: {  	[spmem:s1] =	stream.indirect.scatter.add.f32 [tilespmem:s28], [sflag:$0x6], $0x40, s24, s20, $0xb8;
	[tilespmem:$0x19CD0] =	vst v63  }
0xa0: {  	_ =	swait.ge [sflag:s14], $0x1F40  }
0xa1: {  	[sflag:s14] =	ssyncset.done $0x0  }
0xa2: {  	[sflag:s14] =	ssyncadd.s32 $0xFFFFE0C0  }
0xa3: {  	[spmem:s3] =	stream.indirect.scatter.add.f32 [tilespmem:s18], [sflag:$0x5], $0x10, s24, s20, $0xb8;
	[tilespmem:$0x19CD0] =	vst v63  }
0xa4: {  	_ =	swait.ge [sflag:s26], $0x7D0  }
0xa5: {  	s7 =	simm.s32 $0x4F;
	[sflag:s26] =	ssyncset.done $0x0  }
.LBB2_4:
0xa6: {  	p0 =	sne.s32 s7, $0x1;
	s7 =	sadd.s32 $0xFFFFFFFF, s7;
	[sflag:s26] =	ssyncadd.s32 $0xFFFFF830  }
.Ltmp1:
0xa7: {  	(pc) =	sbr.rel @p0 .LBB2_4-.Ltmp1, $3  }
0xa8: {  	_ =	sdelay $0x1  }
0xa9: {  	_ =	swait.ge [sflag:s26], $0x7D0  }
0xaa: {  	[sflag:s26] =	ssyncset.done $0x0  }
0xab: {  	[sflag:s26] =	ssyncadd.s32 $0xFFFFF830  }
0xac: {  	[bflag:$0x0] =	sbarrier.arrive $0xFFFF  }
0xad: {  	[hbm:s11], [sflag:s16] =	dma.local [spmem:s17], $0x1400  }
0xae: {  	s6 =	sadd.s32 $0x1, s6;
	_ =	swait.ge [sflag:s14], $0x1400  }
0xaf: {  	p0 =	sne.s32 s6, s13;
	[sflag:s14] =	ssyncset.done $0x0  }
.Ltmp2:
0xb0: {  	[sflag:s14] =	ssyncadd.s32 $0xFFFFEC00;
	(pc) =	sbr.rel @p0 .LBB2_1-.Ltmp2, $4  }
0xb1: {  	[hbm:s12], [sflag:s16] =	dma.local [spmem:s19], $0x500  }
0xb2: {  	_ =	swait.ge [sflag:s14], $0x500  }
0xb3: {  	[sflag:s14] =	ssyncset.done $0x0  }
0xb4: {  	[sflag:s14] =	ssyncadd.s32 $0xFFFFFB00  }
0xb5: {  	_ =	sfence.sel $0x180000  }
0xb6: {  	[bflag:$0x0] =	sbarrier.arrive $0xFFFF  }
0xb7: {  	_ =	strace $0x90000047  }
0xb8: {  	s0 =	stileid.u32;
	[bflag:$0x2] =	sbarrier.arrive $0xFFFF  }
0xb9: {  	p0 =	sne.s32 s0, $0x0;
	s0 =	rddreg [dreg:$0x4]  }
0xba: {  	s0 =	sadd.s32 @!p0 $0x100000, s0  }
0xbb: {  	[sflag:s0] =	ssyncadd.tile.s32 @!p0 $0x1;
	_ =	shalt  }
.Lfunc_end2:
_tile_overlayer_lowered:
.L_overlay_start_2:
0xbc: {  	(tag) =	ssettag $0x2  }
0xbd: {  	s0 =	rddreg [dreg:$0x0];
	s2 =	stileid.u32  }
0xbe: {  	s1 =	rddreg [dreg:$0x1];
	p0 =	sne.s32 s2, $0x0  }
0xbf: {  	s3 =	rddreg [dreg:$0x2];
	[bflag:$0x3] =	sbarrier.arrive $0xFFFF;
	s2 =	simm.s32 @!p0 $0x1C06  }
0xc0: {  	[timem:s3], [sflag:s2] =	dma.local @!p0 [hbm:s0], s1  }
0xc1: {  	s0 =	simm.s32 @!p0 $0x6  }
0xc2: {  	_ =	swait.ge @!p0 [sflag:s0], s1  }
0xc3: {  	s1 =	ssub.s32 @!p0 $0x0, s1;
	[sflag:s0] =	ssyncset.done @!p0 $0x0  }
0xc4: {  	[sflag:s0] =	ssyncadd.s32 @!p0 s1  }
0xc5: {  	[bflag:$0x3] =	sbarrier.arrive $0xFFFF  }
0xc6: {  	_ =	shalt  }

</sc_bundles>
